<compile_context>
chip_gen: v7x
topology: tpu7x:2x2x1
jax: 0.10.2.dev20260603
libtpu: 0.0.44.dev20260713+nightly
codegen_flags: <defaults>
</compile_context>

<pallas_src>
import jax
import jax.numpy as jnp
from jax import lax
from jax.experimental import pallas as pl
from jax.experimental.pallas import tpu as pltpu
from jax.experimental.pallas import tpu_sc as plsc

HIDDEN = 64
GAMMA_VAL = 12.0
BATCH_N = 16384
LANES = 16
PACK = 128

NUM_CORES = 2
NUM_SUBCORES = 16
NW = NUM_CORES * NUM_SUBCORES
BW = BATCH_N // NW
CH = 128
NCH = BW // CH
CGROUPS = CH // LANES


def _score_body(samp, ent, rel, out, samp_v, hidx_v, ridx_v, tidx_v,
                hcol_v, rcol_v, tcol_v, h_v, r_v, t_v, part_v, out_v, sem):
    wid = lax.axis_index("s") * NUM_CORES + lax.axis_index("c")
    base = wid * BW

    pltpu.sync_copy(samp.at[pl.ds(base * 3, BW * 3)], samp_v)

    iota = lax.iota(jnp.int32, LANES)

    def chunk(c, carry):
        def deint(g, carry):
            rows3 = (c * CH + g * LANES + iota) * 3
            dst = pl.ds(g * LANES, LANES)
            hv = plsc.load_gather(samp_v, [rows3])
            rv = plsc.load_gather(samp_v, [rows3 + 1])
            tv = plsc.load_gather(samp_v, [rows3 + 2])
            hidx_v[dst] = jnp.right_shift(hv, 1)
            ridx_v[dst] = jnp.right_shift(rv, 1)
            tidx_v[dst] = jnp.right_shift(tv, 1)
            hcol_v[dst] = jnp.bitwise_and(hv, 1) * HIDDEN
            rcol_v[dst] = jnp.bitwise_and(rv, 1) * HIDDEN
            tcol_v[dst] = jnp.bitwise_and(tv, 1) * HIDDEN
            return carry

        lax.fori_loop(0, CGROUPS, deint, 0)

        cph = pltpu.async_copy(ent.at[hidx_v], h_v, sem)
        cpr = pltpu.async_copy(rel.at[ridx_v], r_v, sem)
        cpt = pltpu.async_copy(ent.at[tidx_v], t_v, sem)
        cph.wait()
        cpr.wait()
        cpt.wait()

        def sample_body(s, carry):
            svec = jnp.full((LANES,), s, jnp.int32)
            hmask = plsc.load_gather(hcol_v, [svec]) != 0
            rmask = plsc.load_gather(rcol_v, [svec]) != 0
            tmask = plsc.load_gather(tcol_v, [svec]) != 0
            acc = jnp.zeros((LANES,), jnp.float32)
            for k in range(HIDDEN // LANES):
                lo = pl.ds(k * LANES, LANES)
                hi = pl.ds(HIDDEN + k * LANES, LANES)
                hv = jnp.where(hmask, h_v[s, hi], h_v[s, lo])
                rv = jnp.where(rmask, r_v[s, hi], r_v[s, lo])
                tv = jnp.where(tmask, t_v[s, hi], t_v[s, lo])
                acc = acc + jnp.abs(hv + rv - tv)
            part_v[s, :] = acc
            return carry

        lax.fori_loop(0, CH, sample_body, 0)

        def red(g, carry):
            rows = g * LANES + iota
            acc16 = jnp.zeros((LANES,), jnp.float32)
            for k in range(LANES):
                acc16 = acc16 + plsc.load_gather(
                    part_v, [rows, jnp.full((LANES,), k, jnp.int32)])
            out_v[pl.ds(c * CH + g * LANES, LANES)] = GAMMA_VAL - acc16
            return carry

        lax.fori_loop(0, CGROUPS, red, 0)
        return carry

    lax.fori_loop(0, NCH, chunk, 0)
    pltpu.sync_copy(out_v, out.at[pl.ds(base, BW)])


_sc_call = pl.kernel(
    _score_body,
    out_type=jax.ShapeDtypeStruct((BATCH_N,), jnp.float32),
    mesh=plsc.VectorSubcoreMesh(core_axis_name="c", subcore_axis_name="s"),
    scratch_types=[
        pltpu.VMEM((BW * 3,), jnp.int32),
        pltpu.VMEM((CH,), jnp.int32),
        pltpu.VMEM((CH,), jnp.int32),
        pltpu.VMEM((CH,), jnp.int32),
        pltpu.VMEM((CH,), jnp.int32),
        pltpu.VMEM((CH,), jnp.int32),
        pltpu.VMEM((CH,), jnp.int32),
        pltpu.VMEM((CH, PACK), jnp.float32),
        pltpu.VMEM((CH, PACK), jnp.float32),
        pltpu.VMEM((CH, PACK), jnp.float32),
        pltpu.VMEM((CH, LANES), jnp.float32),
        pltpu.VMEM((BW,), jnp.float32),
        pltpu.SemaphoreType.DMA,
    ],
    compiler_params=pltpu.CompilerParams(needs_layout_passes=False),
)


@jax.jit
def kernel(sample, entity_embedding, relation_embedding):
    samp = sample.reshape(BATCH_N * 3)
    ent2 = entity_embedding.reshape(-1, PACK)
    rel2 = relation_embedding.reshape(-1, PACK)
    score = _sc_call(samp, ent2, rel2)
    return score.reshape(BATCH_N, 1)

# --- scband reference (transcript-rebuilt; emitter-appended) ---
"""Pipeline reference for scband-kgemodel-84980222919066 (READ-ONLY COPY).

The authoritative reference and input builder live on the scoring server;
editing this copy changes nothing except your own understanding.
"""

import jax, jax.numpy as jnp
import numpy as np

NENTITY = 1000000
NRELATION = 1000000
HIDDEN_DIM = 64
GAMMA = 12.0
EPSILON = 2.0
EMB_RANGE = (GAMMA + EPSILON) / HIDDEN_DIM
BATCH = 16384


def setup_inputs(seed: int = 0) -> dict:
    key = jax.random.key(seed)
    k1, k2, k3 = jax.random.split(key, 3)
    sample = jax.random.randint(k1, (BATCH, 3), 0, NENTITY, dtype=jnp.int32)
    entity_embedding = jax.random.uniform(
        k2, (NENTITY, HIDDEN_DIM), minval=-EMB_RANGE, maxval=EMB_RANGE, dtype=jnp.float32
    )
    relation_embedding = jax.random.uniform(
        k3, (NRELATION, HIDDEN_DIM), minval=-EMB_RANGE, maxval=EMB_RANGE, dtype=jnp.float32
    )
    return {
        "sample": sample,
        "entity_embedding": entity_embedding,
        "relation_embedding": relation_embedding,
    }


def reference(sample, entity_embedding, relation_embedding):
    # mode == 'single': gather head/relation/tail rows, unsqueeze at dim 1
    head = jnp.take(entity_embedding, sample[:, 0], axis=0)[:, None, :]
    relation = jnp.take(relation_embedding, sample[:, 1], axis=0)[:, None, :]
    tail = jnp.take(entity_embedding, sample[:, 2], axis=0)[:, None, :]
    # TransE score: gamma - || head + relation - tail ||_1
    score = head + relation - tail
    score = GAMMA - jnp.sum(jnp.abs(score), axis=2)
    return score

if __name__ == "__main__":
    import jax
    _d = setup_inputs()
    print(jax.jit(kernel)(*tuple(_d.values())))

</pallas_src>

<mosaic_0001>
#map = affine_map<(d0, d1) -> (0)>
#map1 = affine_map<(d0, d1) -> (0, 0)>
module attributes {stable_mosaic.version = 14 : i64} {
  func.func @_score_body(%arg0: i32, %arg1: i32, %arg2: memref<49152xi32, #tpu.memory_space<hbm>>, %arg3: memref<500000x128xf32, #tpu.memory_space<hbm>>, %arg4: memref<500000x128xf32, #tpu.memory_space<hbm>>, %arg5: memref<16384xf32, #tpu.memory_space<hbm>>, %arg6: memref<1536xi32, #tpu.memory_space<vmem>>, %arg7: memref<128xi32, #tpu.memory_space<vmem>>, %arg8: memref<128xi32, #tpu.memory_space<vmem>>, %arg9: memref<128xi32, #tpu.memory_space<vmem>>, %arg10: memref<128xi32, #tpu.memory_space<vmem>>, %arg11: memref<128xi32, #tpu.memory_space<vmem>>, %arg12: memref<128xi32, #tpu.memory_space<vmem>>, %arg13: memref<128x128xf32, #tpu.memory_space<vmem>>, %arg14: memref<128x128xf32, #tpu.memory_space<vmem>>, %arg15: memref<128x128xf32, #tpu.memory_space<vmem>>, %arg16: memref<128x16xf32, #tpu.memory_space<vmem>>, %arg17: memref<512xf32, #tpu.memory_space<vmem>>, %arg18: memref<!tpu.dma_semaphore, #tpu.memory_space<semaphore_mem>>) attributes {dimension_semantics = [#tpu.dimension_semantics<core_parallel>, #tpu.dimension_semantics<subcore_parallel>], iteration_bounds = array<i64: 2, 16>, scalar_prefetch = 0 : i64, scratch_operands = 13 : i64, tpu.core_type = #tpu.core_type<sc_vector_subcore>, window_params = [{transform_indices = #map}, {transform_indices = #map1}, {transform_indices = #map1}, {transform_indices = #map}]} {
    %mul3A = arith.constant 2 : i32
    %mul3A_0 = arith.muli %arg1, %mul3A : i32
    %add3A = arith.addi %mul3A_0, %arg0 : i32
    %mul3A_1 = arith.constant 512 : i32
    %mul3A_2 = arith.muli %add3A, %mul3A_1 : i32
    %mul3A_3 = arith.constant 3 : i32
    %mul3A_4 = arith.muli %mul3A_2, %mul3A_3 : i32
    "tpu.region"() ({
      %run_scoped3A = tpu.sem_alloc : memref<!tpu.dma_semaphore, #tpu.memory_space<semaphore_mem>>
      %dma_start3A = tpu.memref_slice %arg2[%mul3A_4] : memref<49152xi32, #tpu.memory_space<hbm>> -> memref<1536xi32, #tpu.memory_space<hbm>>
      %dma_start3A_10 = tpu.memref_slice %arg2[%mul3A_4] : memref<49152xi32, #tpu.memory_space<hbm>> -> memref<1536xi32, #tpu.memory_space<hbm>>
      tpu.enqueue_dma source(%dma_start3A_10 : memref<1536xi32, #tpu.memory_space<hbm>>) target(%arg6 : memref<1536xi32, #tpu.memory_space<vmem>>) target_semaphore(%run_scoped3A : memref<!tpu.dma_semaphore, #tpu.memory_space<semaphore_mem>>)
      %dma_wait3A = tpu.memref_slice %arg2[%mul3A_4] : memref<49152xi32, #tpu.memory_space<hbm>> -> memref<1536xi32, #tpu.memory_space<hbm>>
      %dma_wait3A_11 = tpu.memref_slice %arg2[%mul3A_4] : memref<49152xi32, #tpu.memory_space<hbm>> -> memref<1536xi32, #tpu.memory_space<hbm>>
      tpu.wait_dma2 semaphore(%run_scoped3A : memref<!tpu.dma_semaphore, #tpu.memory_space<semaphore_mem>>) src(%dma_wait3A_11 : memref<1536xi32, #tpu.memory_space<hbm>>) dst(%arg6 : memref<1536xi32, #tpu.memory_space<vmem>>)
      tpu.yield
    }) : () -> ()
    %iota3A = tpu.iota {dimensions = array<i32: 0>} : vector<16xi32>
    %scan3A = arith.constant 0 : i32
    %scan3A_5 = arith.constant 0 : i32
    %scan3A_6 = arith.constant 4 : i32
    %scan3A_7 = arith.addi %scan3A_5, %scan3A_6 : i32
    %scan3A_8 = arith.constant 1 : i32
    scf.for %scan3A_10 = %scan3A_5 to %scan3A_7 step %scan3A_8  : i32 {
      %scan3A_11 = arith.constant 0 : i32
      %scan3A_12 = arith.constant 0 : i32
      %scan3A_13 = arith.constant 8 : i32
      %scan3A_14 = arith.addi %scan3A_12, %scan3A_13 : i32
      %scan3A_15 = arith.constant 1 : i32
      scf.for %scan3A_45 = %scan3A_12 to %scan3A_14 step %scan3A_15  : i32 {
        %mul3A_46 = arith.constant 128 : i32
        %mul3A_47 = arith.muli %scan3A_10, %mul3A_46 : i32
        %mul3A_48 = arith.constant 16 : i32
        %mul3A_49 = arith.muli %scan3A_45, %mul3A_48 : i32
        %add3A_50 = arith.addi %mul3A_47, %mul3A_49 : i32
        %add3A_51 = vector.broadcast %add3A_50 : i32 to vector<16xi32>
        %add3A_52 = arith.addi %add3A_51, %iota3A : vector<16xi32>
        %mul3A_53 = arith.constant 3 : i32
        %mul3A_54 = vector.broadcast %mul3A_53 : i32 to vector<16xi32>
        %mul3A_55 = arith.muli %add3A_52, %mul3A_54 : vector<16xi32>
        %mul3A_56 = arith.constant 16 : i32
        %mul3A_57 = arith.muli %scan3A_45, %mul3A_56 : i32
        %gather3A = tpu.vector_load_idx %arg6[%mul3A_55] : memref<1536xi32, #tpu.memory_space<vmem>>[vector<16xi32>], vector<16xi32>,
        %add3A_58 = arith.constant 1 : i32
        %add3A_59 = vector.broadcast %add3A_58 : i32 to vector<16xi32>
        %add3A_60 = arith.addi %mul3A_55, %add3A_59 : vector<16xi32>
        %gather3A_61 = tpu.vector_load_idx %arg6[%add3A_60] : memref<1536xi32, #tpu.memory_space<vmem>>[vector<16xi32>], vector<16xi32>,
        %add3A_62 = arith.constant 2 : i32
        %add3A_63 = vector.broadcast %add3A_62 : i32 to vector<16xi32>
        %add3A_64 = arith.addi %mul3A_55, %add3A_63 : vector<16xi32>
        %gather3A_65 = tpu.vector_load_idx %arg6[%add3A_64] : memref<1536xi32, #tpu.memory_space<vmem>>[vector<16xi32>], vector<16xi32>,
        %shift_right_arithmetic3A = arith.constant 1 : i32
        %shift_right_arithmetic3A_66 = vector.broadcast %shift_right_arithmetic3A : i32 to vector<16xi32>
        %shift_right_arithmetic3A_67 = arith.shrsi %gather3A, %shift_right_arithmetic3A_66 : vector<16xi32>
        %swap3A = arith.index_cast %mul3A_57 : i32 to index
        %swap3A_68 = tpu.vector_load %arg7[%swap3A] {strides = array<i32>} : memref<128xi32, #tpu.memory_space<vmem>>, vector<16xi32>,
        tpu.vector_store %arg7[%swap3A], %shift_right_arithmetic3A_67 {strides = array<i32>} : memref<128xi32, #tpu.memory_space<vmem>>, vector<16xi32>,
        %shift_right_arithmetic3A_69 = arith.constant 1 : i32
        %shift_right_arithmetic3A_70 = vector.broadcast %shift_right_arithmetic3A_69 : i32 to vector<16xi32>
        %shift_right_arithmetic3A_71 = arith.shrsi %gather3A_61, %shift_right_arithmetic3A_70 : vector<16xi32>
        %swap3A_72 = arith.index_cast %mul3A_57 : i32 to index
        %swap3A_73 = tpu.vector_load %arg8[%swap3A_72] {strides = array<i32>} : memref<128xi32, #tpu.memory_space<vmem>>, vector<16xi32>,
        tpu.vector_store %arg8[%swap3A_72], %shift_right_arithmetic3A_71 {strides = array<i32>} : memref<128xi32, #tpu.memory_space<vmem>>, vector<16xi32>,
        %shift_right_arithmetic3A_74 = arith.constant 1 : i32
        %shift_right_arithmetic3A_75 = vector.broadcast %shift_right_arithmetic3A_74 : i32 to vector<16xi32>
        %shift_right_arithmetic3A_76 = arith.shrsi %gather3A_65, %shift_right_arithmetic3A_75 : vector<16xi32>
        %swap3A_77 = arith.index_cast %mul3A_57 : i32 to index
        %swap3A_78 = tpu.vector_load %arg9[%swap3A_77] {strides = array<i32>} : memref<128xi32, #tpu.memory_space<vmem>>, vector<16xi32>,
        tpu.vector_store %arg9[%swap3A_77], %shift_right_arithmetic3A_76 {strides = array<i32>} : memref<128xi32, #tpu.memory_space<vmem>>, vector<16xi32>,
        %and3A = arith.constant 1 : i32
        %and3A_79 = vector.broadcast %and3A : i32 to vector<16xi32>
        %and3A_80 = arith.andi %gather3A, %and3A_79 : vector<16xi32>
        %mul3A_81 = arith.constant 64 : i32
        %mul3A_82 = vector.broadcast %mul3A_81 : i32 to vector<16xi32>
        %mul3A_83 = arith.muli %and3A_80, %mul3A_82 : vector<16xi32>
        %swap3A_84 = arith.index_cast %mul3A_57 : i32 to index
        %swap3A_85 = tpu.vector_load %arg10[%swap3A_84] {strides = array<i32>} : memref<128xi32, #tpu.memory_space<vmem>>, vector<16xi32>,
        tpu.vector_store %arg10[%swap3A_84], %mul3A_83 {strides = array<i32>} : memref<128xi32, #tpu.memory_space<vmem>>, vector<16xi32>,
        %and3A_86 = arith.constant 1 : i32
        %and3A_87 = vector.broadcast %and3A_86 : i32 to vector<16xi32>
        %and3A_88 = arith.andi %gather3A_61, %and3A_87 : vector<16xi32>
        %mul3A_89 = arith.constant 64 : i32
        %mul3A_90 = vector.broadcast %mul3A_89 : i32 to vector<16xi32>
        %mul3A_91 = arith.muli %and3A_88, %mul3A_90 : vector<16xi32>
        %swap3A_92 = arith.index_cast %mul3A_57 : i32 to index
        %swap3A_93 = tpu.vector_load %arg11[%swap3A_92] {strides = array<i32>} : memref<128xi32, #tpu.memory_space<vmem>>, vector<16xi32>,
        tpu.vector_store %arg11[%swap3A_92], %mul3A_91 {strides = array<i32>} : memref<128xi32, #tpu.memory_space<vmem>>, vector<16xi32>,
        %and3A_94 = arith.constant 1 : i32
        %and3A_95 = vector.broadcast %and3A_94 : i32 to vector<16xi32>
        %and3A_96 = arith.andi %gather3A_65, %and3A_95 : vector<16xi32>
        %mul3A_97 = arith.constant 64 : i32
        %mul3A_98 = vector.broadcast %mul3A_97 : i32 to vector<16xi32>
        %mul3A_99 = arith.muli %and3A_96, %mul3A_98 : vector<16xi32>
        %swap3A_100 = arith.index_cast %mul3A_57 : i32 to index
        %swap3A_101 = tpu.vector_load %arg12[%swap3A_100] {strides = array<i32>} : memref<128xi32, #tpu.memory_space<vmem>>, vector<16xi32>,
        tpu.vector_store %arg12[%swap3A_100], %mul3A_99 {strides = array<i32>} : memref<128xi32, #tpu.memory_space<vmem>>, vector<16xi32>,
      }
      %scan3A_16 = arith.constant 8 : i32
      %dma_start3A = arith.constant 0 : i32
      %dma_start3A_17 = arith.constant 0 : i32
      %dma_start3A_18 = tpu.memref_slice %arg3[%dma_start3A, %dma_start3A_17] : memref<500000x128xf32, #tpu.memory_space<hbm>> -> memref<500000x128xf32, #tpu.memory_space<hbm>>
      tpu.enqueue_indirect_dma source(%dma_start3A_18 : memref<500000x128xf32, #tpu.memory_space<hbm>>) target(%arg13 : memref<128x128xf32, #tpu.memory_space<vmem>>) offsets(%arg7 : memref<128xi32, #tpu.memory_space<vmem>>) semaphore(%arg18 : memref<!tpu.dma_semaphore, #tpu.memory_space<semaphore_mem>>)
      %dma_start3A_19 = arith.constant 0 : i32
      %dma_start3A_20 = arith.constant 0 : i32
      %dma_start3A_21 = tpu.memref_slice %arg4[%dma_start3A_19, %dma_start3A_20] : memref<500000x128xf32, #tpu.memory_space<hbm>> -> memref<500000x128xf32, #tpu.memory_space<hbm>>
      tpu.enqueue_indirect_dma source(%dma_start3A_21 : memref<500000x128xf32, #tpu.memory_space<hbm>>) target(%arg14 : memref<128x128xf32, #tpu.memory_space<vmem>>) offsets(%arg8 : memref<128xi32, #tpu.memory_space<vmem>>) semaphore(%arg18 : memref<!tpu.dma_semaphore, #tpu.memory_space<semaphore_mem>>)
      %dma_start3A_22 = arith.constant 0 : i32
      %dma_start3A_23 = arith.constant 0 : i32
      %dma_start3A_24 = tpu.memref_slice %arg3[%dma_start3A_22, %dma_start3A_23] : memref<500000x128xf32, #tpu.memory_space<hbm>> -> memref<500000x128xf32, #tpu.memory_space<hbm>>
      tpu.enqueue_indirect_dma source(%dma_start3A_24 : memref<500000x128xf32, #tpu.memory_space<hbm>>) target(%arg15 : memref<128x128xf32, #tpu.memory_space<vmem>>) offsets(%arg9 : memref<128xi32, #tpu.memory_space<vmem>>) semaphore(%arg18 : memref<!tpu.dma_semaphore, #tpu.memory_space<semaphore_mem>>)
      %dma_wait3A = arith.constant 0 : i32
      %dma_wait3A_25 = arith.constant 0 : i32
      %dma_wait3A_26 = tpu.memref_slice %arg3[%dma_wait3A, %dma_wait3A_25] : memref<500000x128xf32, #tpu.memory_space<hbm>> -> memref<500000x128xf32, #tpu.memory_space<hbm>>
      tpu.wait_indirect_dma semaphore(%arg18 : memref<!tpu.dma_semaphore, #tpu.memory_space<semaphore_mem>>) src(%dma_wait3A_26 : memref<500000x128xf32, #tpu.memory_space<hbm>>) dst(%arg13 : memref<128x128xf32, #tpu.memory_space<vmem>>)
      %dma_wait3A_27 = arith.constant 0 : i32
      %dma_wait3A_28 = arith.constant 0 : i32
      %dma_wait3A_29 = tpu.memref_slice %arg4[%dma_wait3A_27, %dma_wait3A_28] : memref<500000x128xf32, #tpu.memory_space<hbm>> -> memref<500000x128xf32, #tpu.memory_space<hbm>>
      tpu.wait_indirect_dma semaphore(%arg18 : memref<!tpu.dma_semaphore, #tpu.memory_space<semaphore_mem>>) src(%dma_wait3A_29 : memref<500000x128xf32, #tpu.memory_space<hbm>>) dst(%arg14 : memref<128x128xf32, #tpu.memory_space<vmem>>)
      %dma_wait3A_30 = arith.constant 0 : i32
      %dma_wait3A_31 = arith.constant 0 : i32
      %dma_wait3A_32 = tpu.memref_slice %arg3[%dma_wait3A_30, %dma_wait3A_31] : memref<500000x128xf32, #tpu.memory_space<hbm>> -> memref<500000x128xf32, #tpu.memory_space<hbm>>
      tpu.wait_indirect_dma semaphore(%arg18 : memref<!tpu.dma_semaphore, #tpu.memory_space<semaphore_mem>>) src(%dma_wait3A_32 : memref<500000x128xf32, #tpu.memory_space<hbm>>) dst(%arg15 : memref<128x128xf32, #tpu.memory_space<vmem>>)
      %scan3A_33 = arith.constant 0 : i32
      %scan3A_34 = arith.constant 0 : i32
      %scan3A_35 = arith.constant 128 : i32
      %scan3A_36 = arith.addi %scan3A_34, %scan3A_35 : i32
      %scan3A_37 = arith.constant 1 : i32
      scf.for %scan3A_45 = %scan3A_34 to %scan3A_36 step %scan3A_37  : i32 {
        %broadcast_in_dim3A = vector.broadcast %scan3A_45 : i32 to vector<16xi32>
        %gather3A = tpu.vector_load_idx %arg10[%broadcast_in_dim3A] : memref<128xi32, #tpu.memory_space<vmem>>[vector<16xi32>], vector<16xi32>,
        %ne3A = arith.constant 0 : i32
        %ne3A_46 = vector.broadcast %ne3A : i32 to vector<16xi32>
        %ne3A_47 = arith.cmpi ne, %gather3A, %ne3A_46 : vector<16xi32>
        %gather3A_48 = tpu.vector_load_idx %arg11[%broadcast_in_dim3A] : memref<128xi32, #tpu.memory_space<vmem>>[vector<16xi32>], vector<16xi32>,
        %ne3A_49 = arith.constant 0 : i32
        %ne3A_50 = vector.broadcast %ne3A_49 : i32 to vector<16xi32>
        %ne3A_51 = arith.cmpi ne, %gather3A_48, %ne3A_50 : vector<16xi32>
        %gather3A_52 = tpu.vector_load_idx %arg12[%broadcast_in_dim3A] : memref<128xi32, #tpu.memory_space<vmem>>[vector<16xi32>], vector<16xi32>,
        %ne3A_53 = arith.constant 0 : i32
        %ne3A_54 = vector.broadcast %ne3A_53 : i32 to vector<16xi32>
        %ne3A_55 = arith.cmpi ne, %gather3A_52, %ne3A_54 : vector<16xi32>
        %broadcast_in_dim3A_56 = arith.constant 0.000000e+00 : f32
        %broadcast_in_dim3A_57 = vector.broadcast %broadcast_in_dim3A_56 : f32 to vector<16xf32>
        %get3A = arith.index_cast %scan3A_45 : i32 to index
        %get3A_58 = arith.constant 64 : index
        %get3A_59 = tpu.vector_load %arg13[%get3A, %get3A_58] {strides = array<i32>} : memref<128x128xf32, #tpu.memory_space<vmem>>, vector<16xf32>,
        %get3A_60 = arith.index_cast %scan3A_45 : i32 to index
        %get3A_61 = arith.constant 0 : index
        %get3A_62 = tpu.vector_load %arg13[%get3A_60, %get3A_61] {strides = array<i32>} : memref<128x128xf32, #tpu.memory_space<vmem>>, vector<16xf32>,
        %select_n3A = arith.select %ne3A_47, %get3A_59, %get3A_62 : vector<16xi1>, vector<16xf32>
        %get3A_63 = arith.index_cast %scan3A_45 : i32 to index
        %get3A_64 = arith.constant 64 : index
        %get3A_65 = tpu.vector_load %arg14[%get3A_63, %get3A_64] {strides = array<i32>} : memref<128x128xf32, #tpu.memory_space<vmem>>, vector<16xf32>,
        %get3A_66 = arith.index_cast %scan3A_45 : i32 to index
        %get3A_67 = arith.constant 0 : index
        %get3A_68 = tpu.vector_load %arg14[%get3A_66, %get3A_67] {strides = array<i32>} : memref<128x128xf32, #tpu.memory_space<vmem>>, vector<16xf32>,
        %select_n3A_69 = arith.select %ne3A_51, %get3A_65, %get3A_68 : vector<16xi1>, vector<16xf32>
        %get3A_70 = arith.index_cast %scan3A_45 : i32 to index
        %get3A_71 = arith.constant 64 : index
        %get3A_72 = tpu.vector_load %arg15[%get3A_70, %get3A_71] {strides = array<i32>} : memref<128x128xf32, #tpu.memory_space<vmem>>, vector<16xf32>,
        %get3A_73 = arith.index_cast %scan3A_45 : i32 to index
        %get3A_74 = arith.constant 0 : index
        %get3A_75 = tpu.vector_load %arg15[%get3A_73, %get3A_74] {strides = array<i32>} : memref<128x128xf32, #tpu.memory_space<vmem>>, vector<16xf32>,
        %select_n3A_76 = arith.select %ne3A_55, %get3A_72, %get3A_75 : vector<16xi1>, vector<16xf32>
        %add3A_77 = arith.addf %select_n3A, %select_n3A_69 : vector<16xf32>
        %sub3A = arith.subf %add3A_77, %select_n3A_76 : vector<16xf32>
        %abs3A = math.absf %sub3A : vector<16xf32>
        %add3A_78 = arith.addf %broadcast_in_dim3A_57, %abs3A : vector<16xf32>
        %get3A_79 = arith.index_cast %scan3A_45 : i32 to index
        %get3A_80 = arith.constant 80 : index
        %get3A_81 = tpu.vector_load %arg13[%get3A_79, %get3A_80] {strides = array<i32>} : memref<128x128xf32, #tpu.memory_space<vmem>>, vector<16xf32>,
        %get3A_82 = arith.index_cast %scan3A_45 : i32 to index
        %get3A_83 = arith.constant 16 : index
        %get3A_84 = tpu.vector_load %arg13[%get3A_82, %get3A_83] {strides = array<i32>} : memref<128x128xf32, #tpu.memory_space<vmem>>, vector<16xf32>,
        %select_n3A_85 = arith.select %ne3A_47, %get3A_81, %get3A_84 : vector<16xi1>, vector<16xf32>
        %get3A_86 = arith.index_cast %scan3A_45 : i32 to index
        %get3A_87 = arith.constant 80 : index
        %get3A_88 = tpu.vector_load %arg14[%get3A_86, %get3A_87] {strides = array<i32>} : memref<128x128xf32, #tpu.memory_space<vmem>>, vector<16xf32>,
        %get3A_89 = arith.index_cast %scan3A_45 : i32 to index
        %get3A_90 = arith.constant 16 : index
        %get3A_91 = tpu.vector_load %arg14[%get3A_89, %get3A_90] {strides = array<i32>} : memref<128x128xf32, #tpu.memory_space<vmem>>, vector<16xf32>,
        %select_n3A_92 = arith.select %ne3A_51, %get3A_88, %get3A_91 : vector<16xi1>, vector<16xf32>
        %get3A_93 = arith.index_cast %scan3A_45 : i32 to index
        %get3A_94 = arith.constant 80 : index
        %get3A_95 = tpu.vector_load %arg15[%get3A_93, %get3A_94] {strides = array<i32>} : memref<128x128xf32, #tpu.memory_space<vmem>>, vector<16xf32>,
        %get3A_96 = arith.index_cast %scan3A_45 : i32 to index
        %get3A_97 = arith.constant 16 : index
        %get3A_98 = tpu.vector_load %arg15[%get3A_96, %get3A_97] {strides = array<i32>} : memref<128x128xf32, #tpu.memory_space<vmem>>, vector<16xf32>,
        %select_n3A_99 = arith.select %ne3A_55, %get3A_95, %get3A_98 : vector<16xi1>, vector<16xf32>
        %add3A_100 = arith.addf %select_n3A_85, %select_n3A_92 : vector<16xf32>
        %sub3A_101 = arith.subf %add3A_100, %select_n3A_99 : vector<16xf32>
        %abs3A_102 = math.absf %sub3A_101 : vector<16xf32>
        %add3A_103 = arith.addf %add3A_78, %abs3A_102 : vector<16xf32>
        %get3A_104 = arith.index_cast %scan3A_45 : i32 to index
        %get3A_105 = arith.constant 96 : index
        %get3A_106 = tpu.vector_load %arg13[%get3A_104, %get3A_105] {strides = array<i32>} : memref<128x128xf32, #tpu.memory_space<vmem>>, vector<16xf32>,
        %get3A_107 = arith.index_cast %scan3A_45 : i32 to index
        %get3A_108 = arith.constant 32 : index
        %get3A_109 = tpu.vector_load %arg13[%get3A_107, %get3A_108] {strides = array<i32>} : memref<128x128xf32, #tpu.memory_space<vmem>>, vector<16xf32>,
        %select_n3A_110 = arith.select %ne3A_47, %get3A_106, %get3A_109 : vector<16xi1>, vector<16xf32>
        %get3A_111 = arith.index_cast %scan3A_45 : i32 to index
        %get3A_112 = arith.constant 96 : index
        %get3A_113 = tpu.vector_load %arg14[%get3A_111, %get3A_112] {strides = array<i32>} : memref<128x128xf32, #tpu.memory_space<vmem>>, vector<16xf32>,
        %get3A_114 = arith.index_cast %scan3A_45 : i32 to index
        %get3A_115 = arith.constant 32 : index
        %get3A_116 = tpu.vector_load %arg14[%get3A_114, %get3A_115] {strides = array<i32>} : memref<128x128xf32, #tpu.memory_space<vmem>>, vector<16xf32>,
        %select_n3A_117 = arith.select %ne3A_51, %get3A_113, %get3A_116 : vector<16xi1>, vector<16xf32>
        %get3A_118 = arith.index_cast %scan3A_45 : i32 to index
        %get3A_119 = arith.constant 96 : index
        %get3A_120 = tpu.vector_load %arg15[%get3A_118, %get3A_119] {strides = array<i32>} : memref<128x128xf32, #tpu.memory_space<vmem>>, vector<16xf32>,
        %get3A_121 = arith.index_cast %scan3A_45 : i32 to index
        %get3A_122 = arith.constant 32 : index
        %get3A_123 = tpu.vector_load %arg15[%get3A_121, %get3A_122] {strides = array<i32>} : memref<128x128xf32, #tpu.memory_space<vmem>>, vector<16xf32>,
        %select_n3A_124 = arith.select %ne3A_55, %get3A_120, %get3A_123 : vector<16xi1>, vector<16xf32>
        %add3A_125 = arith.addf %select_n3A_110, %select_n3A_117 : vector<16xf32>
        %sub3A_126 = arith.subf %add3A_125, %select_n3A_124 : vector<16xf32>
        %abs3A_127 = math.absf %sub3A_126 : vector<16xf32>
        %add3A_128 = arith.addf %add3A_103, %abs3A_127 : vector<16xf32>
        %get3A_129 = arith.index_cast %scan3A_45 : i32 to index
        %get3A_130 = arith.constant 112 : index
        %get3A_131 = tpu.vector_load %arg13[%get3A_129, %get3A_130] {strides = array<i32>} : memref<128x128xf32, #tpu.memory_space<vmem>>, vector<16xf32>,
        %get3A_132 = arith.index_cast %scan3A_45 : i32 to index
        %get3A_133 = arith.constant 48 : index
        %get3A_134 = tpu.vector_load %arg13[%get3A_132, %get3A_133] {strides = array<i32>} : memref<128x128xf32, #tpu.memory_space<vmem>>, vector<16xf32>,
        %select_n3A_135 = arith.select %ne3A_47, %get3A_131, %get3A_134 : vector<16xi1>, vector<16xf32>
        %get3A_136 = arith.index_cast %scan3A_45 : i32 to index
        %get3A_137 = arith.constant 112 : index
        %get3A_138 = tpu.vector_load %arg14[%get3A_136, %get3A_137] {strides = array<i32>} : memref<128x128xf32, #tpu.memory_space<vmem>>, vector<16xf32>,
        %get3A_139 = arith.index_cast %scan3A_45 : i32 to index
        %get3A_140 = arith.constant 48 : index
        %get3A_141 = tpu.vector_load %arg14[%get3A_139, %get3A_140] {strides = array<i32>} : memref<128x128xf32, #tpu.memory_space<vmem>>, vector<16xf32>,
        %select_n3A_142 = arith.select %ne3A_51, %get3A_138, %get3A_141 : vector<16xi1>, vector<16xf32>
        %get3A_143 = arith.index_cast %scan3A_45 : i32 to index
        %get3A_144 = arith.constant 112 : index
        %get3A_145 = tpu.vector_load %arg15[%get3A_143, %get3A_144] {strides = array<i32>} : memref<128x128xf32, #tpu.memory_space<vmem>>, vector<16xf32>,
        %get3A_146 = arith.index_cast %scan3A_45 : i32 to index
        %get3A_147 = arith.constant 48 : index
        %get3A_148 = tpu.vector_load %arg15[%get3A_146, %get3A_147] {strides = array<i32>} : memref<128x128xf32, #tpu.memory_space<vmem>>, vector<16xf32>,
        %select_n3A_149 = arith.select %ne3A_55, %get3A_145, %get3A_148 : vector<16xi1>, vector<16xf32>
        %add3A_150 = arith.addf %select_n3A_135, %select_n3A_142 : vector<16xf32>
        %sub3A_151 = arith.subf %add3A_150, %select_n3A_149 : vector<16xf32>
        %abs3A_152 = math.absf %sub3A_151 : vector<16xf32>
        %add3A_153 = arith.addf %add3A_128, %abs3A_152 : vector<16xf32>
        %swap3A = arith.index_cast %scan3A_45 : i32 to index
        %swap3A_154 = arith.constant 0 : index
        %swap3A_155 = tpu.vector_load %arg16[%swap3A, %swap3A_154] {strides = array<i32>} : memref<128x16xf32, #tpu.memory_space<vmem>>, vector<16xf32>,
        tpu.vector_store %arg16[%swap3A, %swap3A_154], %add3A_153 {strides = array<i32>} : memref<128x16xf32, #tpu.memory_space<vmem>>, vector<16xf32>,
      }
      %scan3A_38 = arith.constant 128 : i32
      %scan3A_39 = arith.constant 0 : i32
      %scan3A_40 = arith.constant 0 : i32
      %scan3A_41 = arith.constant 8 : i32
      %scan3A_42 = arith.addi %scan3A_40, %scan3A_41 : i32
      %scan3A_43 = arith.constant 1 : i32
      scf.for %scan3A_45 = %scan3A_40 to %scan3A_42 step %scan3A_43  : i32 {
        %mul3A_46 = arith.constant 16 : i32
        %mul3A_47 = arith.muli %scan3A_45, %mul3A_46 : i32
        %add3A_48 = vector.broadcast %mul3A_47 : i32 to vector<16xi32>
        %add3A_49 = arith.addi %add3A_48, %iota3A : vector<16xi32>
        %broadcast_in_dim3A = arith.constant 0.000000e+00 : f32
        %broadcast_in_dim3A_50 = vector.broadcast %broadcast_in_dim3A : f32 to vector<16xf32>
        %broadcast_in_dim3A_51 = arith.constant 0 : i32
        %broadcast_in_dim3A_52 = vector.broadcast %broadcast_in_dim3A_51 : i32 to vector<16xi32>
        %gather3A = tpu.vector_load_idx %arg16[%add3A_49, %broadcast_in_dim3A_52] : memref<128x16xf32, #tpu.memory_space<vmem>>[vector<16xi32>, vector<16xi32>], vector<16xf32>,
        %add3A_53 = arith.addf %broadcast_in_dim3A_50, %gather3A : vector<16xf32>
        %broadcast_in_dim3A_54 = arith.constant 1 : i32
        %broadcast_in_dim3A_55 = vector.broadcast %broadcast_in_dim3A_54 : i32 to vector<16xi32>
        %gather3A_56 = tpu.vector_load_idx %arg16[%add3A_49, %broadcast_in_dim3A_55] : memref<128x16xf32, #tpu.memory_space<vmem>>[vector<16xi32>, vector<16xi32>], vector<16xf32>,
        %add3A_57 = arith.addf %add3A_53, %gather3A_56 : vector<16xf32>
        %broadcast_in_dim3A_58 = arith.constant 2 : i32
        %broadcast_in_dim3A_59 = vector.broadcast %broadcast_in_dim3A_58 : i32 to vector<16xi32>
        %gather3A_60 = tpu.vector_load_idx %arg16[%add3A_49, %broadcast_in_dim3A_59] : memref<128x16xf32, #tpu.memory_space<vmem>>[vector<16xi32>, vector<16xi32>], vector<16xf32>,
        %add3A_61 = arith.addf %add3A_57, %gather3A_60 : vector<16xf32>
        %broadcast_in_dim3A_62 = arith.constant 3 : i32
        %broadcast_in_dim3A_63 = vector.broadcast %broadcast_in_dim3A_62 : i32 to vector<16xi32>
        %gather3A_64 = tpu.vector_load_idx %arg16[%add3A_49, %broadcast_in_dim3A_63] : memref<128x16xf32, #tpu.memory_space<vmem>>[vector<16xi32>, vector<16xi32>], vector<16xf32>,
        %add3A_65 = arith.addf %add3A_61, %gather3A_64 : vector<16xf32>
        %broadcast_in_dim3A_66 = arith.constant 4 : i32
        %broadcast_in_dim3A_67 = vector.broadcast %broadcast_in_dim3A_66 : i32 to vector<16xi32>
        %gather3A_68 = tpu.vector_load_idx %arg16[%add3A_49, %broadcast_in_dim3A_67] : memref<128x16xf32, #tpu.memory_space<vmem>>[vector<16xi32>, vector<16xi32>], vector<16xf32>,
        %add3A_69 = arith.addf %add3A_65, %gather3A_68 : vector<16xf32>
        %broadcast_in_dim3A_70 = arith.constant 5 : i32
        %broadcast_in_dim3A_71 = vector.broadcast %broadcast_in_dim3A_70 : i32 to vector<16xi32>
        %gather3A_72 = tpu.vector_load_idx %arg16[%add3A_49, %broadcast_in_dim3A_71] : memref<128x16xf32, #tpu.memory_space<vmem>>[vector<16xi32>, vector<16xi32>], vector<16xf32>,
        %add3A_73 = arith.addf %add3A_69, %gather3A_72 : vector<16xf32>
        %broadcast_in_dim3A_74 = arith.constant 6 : i32
        %broadcast_in_dim3A_75 = vector.broadcast %broadcast_in_dim3A_74 : i32 to vector<16xi32>
        %gather3A_76 = tpu.vector_load_idx %arg16[%add3A_49, %broadcast_in_dim3A_75] : memref<128x16xf32, #tpu.memory_space<vmem>>[vector<16xi32>, vector<16xi32>], vector<16xf32>,
        %add3A_77 = arith.addf %add3A_73, %gather3A_76 : vector<16xf32>
        %broadcast_in_dim3A_78 = arith.constant 7 : i32
        %broadcast_in_dim3A_79 = vector.broadcast %broadcast_in_dim3A_78 : i32 to vector<16xi32>
        %gather3A_80 = tpu.vector_load_idx %arg16[%add3A_49, %broadcast_in_dim3A_79] : memref<128x16xf32, #tpu.memory_space<vmem>>[vector<16xi32>, vector<16xi32>], vector<16xf32>,
        %add3A_81 = arith.addf %add3A_77, %gather3A_80 : vector<16xf32>
        %broadcast_in_dim3A_82 = arith.constant 8 : i32
        %broadcast_in_dim3A_83 = vector.broadcast %broadcast_in_dim3A_82 : i32 to vector<16xi32>
        %gather3A_84 = tpu.vector_load_idx %arg16[%add3A_49, %broadcast_in_dim3A_83] : memref<128x16xf32, #tpu.memory_space<vmem>>[vector<16xi32>, vector<16xi32>], vector<16xf32>,
        %add3A_85 = arith.addf %add3A_81, %gather3A_84 : vector<16xf32>
        %broadcast_in_dim3A_86 = arith.constant 9 : i32
        %broadcast_in_dim3A_87 = vector.broadcast %broadcast_in_dim3A_86 : i32 to vector<16xi32>
        %gather3A_88 = tpu.vector_load_idx %arg16[%add3A_49, %broadcast_in_dim3A_87] : memref<128x16xf32, #tpu.memory_space<vmem>>[vector<16xi32>, vector<16xi32>], vector<16xf32>,
        %add3A_89 = arith.addf %add3A_85, %gather3A_88 : vector<16xf32>
        %broadcast_in_dim3A_90 = arith.constant 10 : i32
        %broadcast_in_dim3A_91 = vector.broadcast %broadcast_in_dim3A_90 : i32 to vector<16xi32>
        %gather3A_92 = tpu.vector_load_idx %arg16[%add3A_49, %broadcast_in_dim3A_91] : memref<128x16xf32, #tpu.memory_space<vmem>>[vector<16xi32>, vector<16xi32>], vector<16xf32>,
        %add3A_93 = arith.addf %add3A_89, %gather3A_92 : vector<16xf32>
        %broadcast_in_dim3A_94 = arith.constant 11 : i32
        %broadcast_in_dim3A_95 = vector.broadcast %broadcast_in_dim3A_94 : i32 to vector<16xi32>
        %gather3A_96 = tpu.vector_load_idx %arg16[%add3A_49, %broadcast_in_dim3A_95] : memref<128x16xf32, #tpu.memory_space<vmem>>[vector<16xi32>, vector<16xi32>], vector<16xf32>,
        %add3A_97 = arith.addf %add3A_93, %gather3A_96 : vector<16xf32>
        %broadcast_in_dim3A_98 = arith.constant 12 : i32
        %broadcast_in_dim3A_99 = vector.broadcast %broadcast_in_dim3A_98 : i32 to vector<16xi32>
        %gather3A_100 = tpu.vector_load_idx %arg16[%add3A_49, %broadcast_in_dim3A_99] : memref<128x16xf32, #tpu.memory_space<vmem>>[vector<16xi32>, vector<16xi32>], vector<16xf32>,
        %add3A_101 = arith.addf %add3A_97, %gather3A_100 : vector<16xf32>
        %broadcast_in_dim3A_102 = arith.constant 13 : i32
        %broadcast_in_dim3A_103 = vector.broadcast %broadcast_in_dim3A_102 : i32 to vector<16xi32>
        %gather3A_104 = tpu.vector_load_idx %arg16[%add3A_49, %broadcast_in_dim3A_103] : memref<128x16xf32, #tpu.memory_space<vmem>>[vector<16xi32>, vector<16xi32>], vector<16xf32>,
        %add3A_105 = arith.addf %add3A_101, %gather3A_104 : vector<16xf32>
        %broadcast_in_dim3A_106 = arith.constant 14 : i32
        %broadcast_in_dim3A_107 = vector.broadcast %broadcast_in_dim3A_106 : i32 to vector<16xi32>
        %gather3A_108 = tpu.vector_load_idx %arg16[%add3A_49, %broadcast_in_dim3A_107] : memref<128x16xf32, #tpu.memory_space<vmem>>[vector<16xi32>, vector<16xi32>], vector<16xf32>,
        %add3A_109 = arith.addf %add3A_105, %gather3A_108 : vector<16xf32>
        %broadcast_in_dim3A_110 = arith.constant 15 : i32
        %broadcast_in_dim3A_111 = vector.broadcast %broadcast_in_dim3A_110 : i32 to vector<16xi32>
        %gather3A_112 = tpu.vector_load_idx %arg16[%add3A_49, %broadcast_in_dim3A_111] : memref<128x16xf32, #tpu.memory_space<vmem>>[vector<16xi32>, vector<16xi32>], vector<16xf32>,
        %add3A_113 = arith.addf %add3A_109, %gather3A_112 : vector<16xf32>
        %sub3A = arith.constant 1.200000e+01 : f32
        %sub3A_114 = vector.broadcast %sub3A : f32 to vector<16xf32>
        %sub3A_115 = arith.subf %sub3A_114, %add3A_113 : vector<16xf32>
        %mul3A_116 = arith.constant 128 : i32
        %mul3A_117 = arith.muli %scan3A_10, %mul3A_116 : i32
        %mul3A_118 = arith.constant 16 : i32
        %mul3A_119 = arith.muli %scan3A_45, %mul3A_118 : i32
        %add3A_120 = arith.addi %mul3A_117, %mul3A_119 : i32
        %swap3A = arith.index_cast %add3A_120 : i32 to index
        %swap3A_121 = tpu.vector_load %arg17[%swap3A] {strides = array<i32>} : memref<512xf32, #tpu.memory_space<vmem>>, vector<16xf32>,
        tpu.vector_store %arg17[%swap3A], %sub3A_115 {strides = array<i32>} : memref<512xf32, #tpu.memory_space<vmem>>, vector<16xf32>,
      }
      %scan3A_44 = arith.constant 8 : i32
    }
    %scan3A_9 = arith.constant 4 : i32
    "tpu.region"() ({
      %run_scoped3A = tpu.sem_alloc : memref<!tpu.dma_semaphore, #tpu.memory_space<semaphore_mem>>
      %dma_start3A = tpu.memref_slice %arg5[%mul3A_2] : memref<16384xf32, #tpu.memory_space<hbm>> -> memref<512xf32, #tpu.memory_space<hbm>>
      %dma_start3A_10 = tpu.memref_slice %arg5[%mul3A_2] : memref<16384xf32, #tpu.memory_space<hbm>> -> memref<512xf32, #tpu.memory_space<hbm>>
      tpu.enqueue_dma source(%arg17 : memref<512xf32, #tpu.memory_space<vmem>>) target(%dma_start3A_10 : memref<512xf32, #tpu.memory_space<hbm>>) target_semaphore(%run_scoped3A : memref<!tpu.dma_semaphore, #tpu.memory_space<semaphore_mem>>)
      %dma_wait3A = tpu.memref_slice %arg5[%mul3A_2] : memref<16384xf32, #tpu.memory_space<hbm>> -> memref<512xf32, #tpu.memory_space<hbm>>
      %dma_wait3A_11 = tpu.memref_slice %arg5[%mul3A_2] : memref<16384xf32, #tpu.memory_space<hbm>> -> memref<512xf32, #tpu.memory_space<hbm>>
      tpu.wait_dma2 semaphore(%run_scoped3A : memref<!tpu.dma_semaphore, #tpu.memory_space<semaphore_mem>>) src(%arg17 : memref<512xf32, #tpu.memory_space<vmem>>) dst(%dma_wait3A_11 : memref<512xf32, #tpu.memory_space<hbm>>)
      tpu.yield
    }) : () -> ()
    return
  }
}

</mosaic_0001>

<sc_bundles>
// kernel: kernel.3.cloned.1.call-start
scs
__scs_entry_jumppad:
0x0: {  	(pc) =	sbr.rel $0x88, $3  }
0x1: {  	(tag) =	ssettag $0x0;
	lr =	simm.s32 $0x1  }
0x2: {  	[smem:$0x3F9E] =	sst lr;
	_ =	strace $0xD0000000  }
0x3: {  	_ = 	snop  }
0x4: {  	_ = 	snop  }
0x5: {  	_ = 	snop  }
0x6: {  	_ = 	snop  }
0x7: {  	_ = 	snop  }
__scs_overlays_trampoline_lowered:
0x8: {  	[smem:$0x3FAD] =	sst s0  }
0x9: {  	[smem:$0x3FAE] =	sst s1  }
0xa: {  	[smem:$0x3FAF] =	sst s2  }
0xb: {  	[smem:$0x3FB0] =	sst s3  }
0xc: {  	[smem:$0x3FB1] =	sst s4  }
0xd: {  	[smem:$0x3FB2] =	sst s5  }
0xe: {  	[smem:$0x3FB3] =	sst s6  }
0xf: {  	[smem:$0x3FB4] =	sst s7  }
0x10: {  	[smem:$0x3FB5] =	sst s8  }
0x11: {  	[smem:$0x3FB6] =	sst s9;
	s0 =	simm.s32 @!p0 $0x0  }
0x12: {  	s1 =	sld [smem:$0x3F9C];
	s0 =	simm.s32 @p0 $0x1  }
0x13: {  	[smem:$0x3FB7] =	sst s0;
	s0 =	simm.s32 @!p1 $0x0  }
0x14: {  	s2 =	sld [smem:$0x3F9B];
	s0 =	simm.s32 @p1 $0x1  }
0x15: {  	[smem:$0x3FB8] =	sst s0;
	s0 =	simm.s32 @!p2 $0x0  }
0x16: {  	s3 =	sld [smem:$0x3FDB];
	s0 =	simm.s32 @p2 $0x1  }
0x17: {  	s4 =	simm.s32 $0x1BF5;
	[smem:$0x3FBA] =	sst s0  }
0x18: {  	s0 =	sld [smem:$0x3F9D];
	_ =	swait.ge [sflag:s4], $0x0  }
0x19: {  	s7 =	sld [smem:$0x3F9E]  }
0x1a: {  	s8 =	sadd.s32 $0xFFFFE003, lr  }
0x1b: {  	s9 =	sadd.s32 $0xFFFFFEF7, lr;
	s5 =	simm.s32 $0xFFFFFFFF;
	p2 =	slt.u32 s8, $0xFFFFF086  }
0x1c: {  	p1 =	slt.u32 s9, $0xF7A;
	s5 =	simm.s32 @!p2 $0x0  }
0x1d: {  	s5 =	simm.s32 @p1 $0x1;
	p0 =	seq.s32 s7, s2  }
0x1e: {  	s7 =	smul.u32 @!p0 $0xF7A, s2;
	p2 =	seq.s32 @!p0 s5, $0x0  }
0x1f: {  	s9 =	smul.u32 $0xF7A, s1;
	s8 =	simm.s32 @!p0 $0x1BF5;
	p2 =	por !p2, p0  }
0x20: {  	[sflag:s8] =	ssyncset.s32 @!p0 $0xFFFFF086;
	s6 =	sadd.s32 @!p0 s3, s7;
	s7 =	simm.s32 @!p0 $0x108  }
0x21: {  	s3 =	sadd.s32 s3, s9;
	s6 =	sadd.s32 @!p0 $0x88, s6;
	s7 =	simm.s32 @p2 $0x1082  }
0x22: {  	[simem:s7], [sflag:s8] =	dma.local @!p0 [hbm:s6], $0xF7A  }
0x23: {  	s9 =	sor.u32 $0xD0000000, s2;
	s6 =	simm.s32 $0x108;
	_ =	swait.ge @!p0 [sflag:s8], $0x0  }
0x24: {  	s3 =	sadd.s32 $0x88, s3;
	s6 =	simm.s32 @!p1 $0x1082;
	[sflag:s4] =	ssyncset.s32 $0xFFFFF086  }
0x25: {  	[simem:s6], [sflag:s4] =	dma.local [hbm:s3], $0xF7A  }
0x26: {  	[smem:$0x3F9E] =	sst s1;
	(tag) =	ssettag s2;
	_ =	strace s9  }
0x27: {  	s1 =	sld [smem:$0x3FAE]  }
0x28: {  	s2 =	sld [smem:$0x3FAF]  }
0x29: {  	s4 =	sld [smem:$0x3FB1]  }
0x2a: {  	p0 =	seq.s32 s5, $0x0;
	s5 =	sld [smem:$0x3FB2]  }
0x2b: {  	s6 =	sld [smem:$0x3FB3]  }
0x2c: {  	s7 =	sld [smem:$0x3FB4]  }
0x2d: {  	s3 =	simm.s32 $0x108;
	s8 =	sld [smem:$0x3FB5]  }
0x2e: {  	s3 =	simm.s32 @!p0 $0x1082;
	s9 =	sld [smem:$0x3FB6]  }
0x2f: {  	lr =	sadd.s32 s0, s3;
	s0 =	sld [smem:$0x3FAD]  }
0x30: {  	s3 =	sld [smem:$0x3FB0]  }
0x31: {  	[smem:$0x3FB9] =	sst s10  }
0x32: {  	s10 =	sld [smem:$0x3FB7];
	_ =	sdelay $0x3  }
0x33: {  	p0 =	seq.s32 s10, $0x1;
	s10 =	sld [smem:$0x3FB9];
	_ =	sdelay $0x3  }
0x34: {  	[smem:$0x3FB9] =	sst s10  }
0x35: {  	s10 =	sld [smem:$0x3FB8];
	_ =	sdelay $0x3  }
0x36: {  	p1 =	seq.s32 s10, $0x1;
	s10 =	sld [smem:$0x3FB9];
	_ =	sdelay $0x3  }
0x37: {  	[smem:$0x3FB9] =	sst s10  }
0x38: {  	s10 =	sld [smem:$0x3FBA]  }
0x39: {  	_ = 	snop;
	(pc) =	sbr.ind lr, $3  }
0x3a: {  	_ = 	snop  }
0x3b: {  	_ = 	snop  }
0x3c: {  	p2 =	seq.s32 s10, $0x1;
	s10 =	sld [smem:$0x3FB9]  }
0x3d: {  	_ =	shalt  }
0x3e: {  	_ =	shalt  }
0x3f: {  	_ =	shalt  }
0x40: {  	_ =	shalt  }
0x41: {  	_ =	shalt  }
0x42: {  	_ =	shalt  }
0x43: {  	_ =	shalt  }
0x44: {  	_ =	shalt  }
0x45: {  	_ =	shalt  }
0x46: {  	_ =	shalt  }
0x47: {  	_ =	shalt  }
0x48: {  	_ =	shalt  }
0x49: {  	_ =	shalt  }
0x4a: {  	_ =	shalt  }
0x4b: {  	_ =	shalt  }
0x4c: {  	_ =	shalt  }
0x4d: {  	_ =	shalt  }
0x4e: {  	_ =	shalt  }
0x4f: {  	_ =	shalt  }
0x50: {  	_ =	shalt  }
0x51: {  	_ =	shalt  }
0x52: {  	_ =	shalt  }
0x53: {  	_ =	shalt  }
0x54: {  	_ =	shalt  }
0x55: {  	_ =	shalt  }
0x56: {  	_ =	shalt  }
0x57: {  	_ =	shalt  }
0x58: {  	_ =	shalt  }
0x59: {  	_ =	shalt  }
0x5a: {  	_ =	shalt  }
0x5b: {  	_ =	shalt  }
0x5c: {  	_ =	shalt  }
0x5d: {  	_ =	shalt  }
0x5e: {  	_ =	shalt  }
0x5f: {  	_ =	shalt  }
0x60: {  	_ =	shalt  }
0x61: {  	_ =	shalt  }
0x62: {  	_ =	shalt  }
0x63: {  	_ =	shalt  }
0x64: {  	_ =	shalt  }
0x65: {  	_ =	shalt  }
0x66: {  	_ =	shalt  }
0x67: {  	_ =	shalt  }
0x68: {  	_ =	shalt  }
0x69: {  	_ =	shalt  }
0x6a: {  	_ =	shalt  }
0x6b: {  	_ =	shalt  }
0x6c: {  	_ =	shalt  }
0x6d: {  	_ =	shalt  }
0x6e: {  	_ =	shalt  }
0x6f: {  	_ =	shalt  }
0x70: {  	_ =	shalt  }
0x71: {  	_ =	shalt  }
0x72: {  	_ =	shalt  }
0x73: {  	_ =	shalt  }
0x74: {  	_ =	shalt  }
0x75: {  	_ =	shalt  }
0x76: {  	_ =	shalt  }
0x77: {  	_ =	shalt  }
0x78: {  	_ =	shalt  }
0x79: {  	_ =	shalt  }
0x7a: {  	_ =	shalt  }
0x7b: {  	_ =	shalt  }
0x7c: {  	_ =	shalt  }
0x7d: {  	_ =	shalt  }
0x7e: {  	_ =	shalt  }
0x7f: {  	_ =	shalt  }
0x80: {  	_ =	shalt  }
0x81: {  	_ =	shalt  }
0x82: {  	_ =	shalt  }
0x83: {  	_ =	shalt  }
0x84: {  	_ =	shalt  }
0x85: {  	_ =	shalt  }
0x86: {  	_ =	shalt  }
0x87: {  	_ =	shalt  }
.Lfunc_end0:
.L_simem_size_0:
called_computation_lowered:
.L_overlay_start_0:
0x88: {  	s2 =	sld [smem:$0x3FD9]  }
0x89: {  	s3 =	sld [smem:$0x3FFE];
	_ =	sdelay $0x1  }
0x8a: {  	s1 =	srdreg.scid  }
0x8b: {  	s0 =	sand.u32 $0x1, s1  }
0x8c: {  	s17 =	sshll.u32 s0, $0xA;
	s2 =	sadd.s32 s3, s2  }
0x8d: {  	s2 =	sadd.s32 s2, s17  }
0x8e: {  	[smem:$0x3FC5] =	sst s2  }
0x8f: {  	_ = 	snop  }
0x90: {  	s2 =	sld [smem:$0x3FD0];
	(tm) =	ssettm $0x1  }
0x91: {  	s18 =	sld [smem:$0x3FFB];
	_ =	sdelay $0x3  }
0x92: {  	_ =	strace s18  }
0x93: {  	s3 =	sld [smem:$0x3FFC];
	_ =	sdelay $0x3  }
0x94: {  	_ =	strace s3  }
0x95: {  	s3 =	sld [smem:$0x3FFD];
	_ =	sdelay $0x3  }
0x96: {  	_ =	strace s3  }
0x97: {  	_ =	strace $0x8FFFFFFF  }
0x98: {  	s19 =	sld [smem:$0x3FDB];
	_ =	sdelay $0x1  }
0x99: {  	s4 =	simm.s32 $_scs_section_size  }
0x9a: {  	s5 =	simm.s32 $_size__tile_overlayer_lowered;
	s6 =	simm.s32 $_tile_overlayer_lowered  }
0x9b: {  	s22 =	simm.s32 $0x1BFF;
	s21 =	sshll.u32 s6, $0x1;
	s3 =	sadd.s32 s4, s19  }
0x9c: {  	s7 =	simm.s32 $0x0;
	s20 =	sshll.u32 s5, $0x1;
	s5 =	sadd.s32 s21, s3  }
0x9d: {  	[timem:s7], [sflag:s22] =	dma.local [hbm:s5], s20  }
0x9e: {  	_ =	swait.ge [sflag:s22], s20  }
0x9f: {  	s4 =	ssub.s32 $0x0, s20;
	[sflag:s22] =	ssyncset.done $0x0  }
0xa0: {  	[sflag:s22] =	ssyncadd.s32 s4;
	_ =	sdelay $0x1  }
0xa1: {  	s23 =	simm.s32 $0x1B8B  }
0xa2: {  	_ =	swait.ge [sflag:s23], $0x1  }
0xa3: {  	[sflag:s23] =	ssyncset.done $0x0  }
0xa4: {  	s25 =	simm.s32 $0x1B8E;
	s24 =	sld [smem:$0x3FFE];
	[sflag:s23] =	ssyncadd.s32 $0xFFFFFFFF  }
0xa5: {  	s26 =	simm.s32 $execute0_lowered;
	[smem:$0x3FD2] =	sst s25  }
0xa6: {  	s5 =	sshll.u32 s26, $0x1;
	_ =	strace $0x80000046;
	[dreg:$0x1] =	wrdreg $0xFFFFFFFF  }
0xa7: {  	s28 =	simm.s32 $_size_execute0_lowered;
	s3 =	sadd.s32 s3, s5;
	[dreg:$0x0] =	wrdreg $0x0  }
0xa8: {  	s5 =	sshll.u32 s28, $0x1;
	[dreg:$0x2] =	wrdreg s3  }
0xa9: {  	[dreg:$0x3] =	wrdreg s5  }
0xaa: {  	[dreg:$0x4] =	wrdreg $0xC0  }
0xab: {  	_ =	task [dreg:s7], $0x5FFFF  }
0xac: {  	[dreg:$0x1] =	wrdreg $0xFFFFFFFF  }
0xad: {  	[dreg:$0x0] =	wrdreg $0x60  }
0xae: {  	[dreg:$0x2] =	wrdreg s24  }
0xaf: {  	[dreg:$0x3] =	wrdreg s2  }
0xb0: {  	[dreg:$0x4] =	wrdreg $0x9  }
0xb1: {  	_ =	task.clear_ibuf [dreg:s7], $0x5FFFF;
	_ =	strace $0x90000046  }
0xb2: {  	s29 =	simm.s32 $0x9;
	_ =	strace $0x80000048  }
0xb3: {  	_ =	swait.ge [sflag:s29], $0x1  }
0xb4: {  	[sflag:s29] =	ssyncadd.s32 $0xFFFFFFFF  }
0xb5: {  	_ =	strace $0x90000048  }
0xb6: {  	_ =	sfence  }
0xb7: {  	s30 =	sld [smem:$0x0];
	_ =	sdelay $0x2  }
0xb8: {  	s31 =	sshll.u32 s1, $0xD;
	s1 =	sshrl.u32 s1, $0x2  }
0xb9: {  	s3 =	sand.u32 $0x4000, s31;
	s1 =	sadd.s32 s1, s30  }
0xba: {  	s0 =	sor.u32 s3, s0;
	s1 =	sshll.u32 s1, $0x11  }
0xbb: {  	s0 =	sor.u32 s1, s0  }
0xbc: {  	s0 =	sadd.s32 $0x8F2B, s0  }
0xbd: {  	[sflag:s0] =	ssyncadd.remote.s32 $0x1  }
0xbe: {  	_ =	sfence.sel $0xFFFF  }
0xbf: {  	[dreg:$0x0] =	wrdreg $0xFFFFFFFF;
	(pc) =	sbr.abs _section_cstart, $3  }
0xc0: {  	[dreg:$0x1] =	wrdreg $0xFFFFFFFF  }
0xc1: {  	_ =	task.clear_ibuf [dreg:s7], $0x2FFFF;
	_ =	strace $0x9FFFFFFF  }
0xc2: {  	(tm) =	ssettm $0x7FFFFFFF  }
0xc3: {  	_ =	shalt  }
tec
execute0_lowered:
.L_overlay_start_1:
0x0: {  	(tag) =	ssettag $0x1  }
0x1: {  	s4 =	rddreg [dreg:$0x0];
	s1 =	srdreg.scid  }
0x2: {  	s0 =	stileid.u32;
	s6 =	rddreg [dreg:$0x1]  }
0x3: {  	s2 =	simm.s32 $0x0;
	s10 =	simm.s32 $0x600;
	s11 =	simm.s32 $0x900  }
0x4: {  	s12 =	simm.s32 $0x680;
	s13 =	simm.s32 $0x4900;
	s14 =	simm.s32 $0x700  }
0x5: {  	s15 =	simm.s32 $0x8900;
	s16 =	simm.s32 $0x1;
	s17 =	simm.s32 $0x780  }
0x6: {  	s18 =	simm.s32 $0x800;
	s19 =	simm.s32 $0x880;
	s20 =	simm.s32 $0xC900  }
0x7: {  	s21 =	simm.s32 $0x10900;
	s3 =	sand.u32 $0x1, s1;
	s1 =	rddreg [dreg:$0x2]  }
0x8: {  	s22 =	simm.s32 $0x0;
	s5 =	sshll.u32 s0, $0x1;
	[smem:$0x7FF] =	sst s2  }
0x9: {  	s5 =	sor.u32 s3, s5;
	_ =	strace $0x80000047;
	s8 =	ssub.s32 $0x2, s3  }
0xa: {  	v3 =	vlaneseq.u32;
	s7 =	smul.u32 $0xC0, s5;
	s9 =	sshrl.u32 s8, $0x1;
	s31 =	sshll.u32 s5, $0x6  }
0xb: {  	v0 =	vmul.u32 $0x3, v3;
	s3 =	sadd.s32 $0xF42A00, s4;
	s8 =	ssub.s32 s8, s9;
	s6 =	sadd.s32 s6, s31  }
0xc: {  	s9 =	simm.s32 $0x80;
	s7 =	sadd.s32 s7, s4;
	s4 =	sadd.s32 $0x16E3C00, s4  }
0xd: {  	v3 =	vmul.u32 $0x80, v3;
	v1 =	vadd.s32 $0x1, v0;
	v2 =	vadd.s32 $0x2, v0;
	s5 =	sadd.s32 $0x600, s7;
	s7 =	smax.u32 s8, $0x1;
	s8 =	simm.s32 $0x2  }
.LBB2_1:
0xe: {  	[tilespmem:s2], [sflag:$0x2] =	stream.linear.gather [hbm4b:s5+s2], $0x600, $0x38;
	[tilespmem:$0x10B00] =	vst v63  }
0xf: {  	_ =	swait.ge [sflag:s8], $0x600  }
0x10: {  	s23 =	simm.s32 $0x10900;
	[sflag:s8] =	ssyncset.done $0x0  }
0x11: {  	s24 =	simm.s32 $0x0;
	s25 =	simm.s32 $0x0;
	[sflag:s8] =	ssyncadd.s32 $0xFFFFFA00  }
.LBB2_2:
0x12: {  	v4 =	vmov s24  }
0x13: {  	v4 =	vmul.u32 $0x3, v4;
	_ =	sdelay $0x1  }
0x14: {  	v4 =	vbroadcast v4, $0x0;
	_ =	sdelay $0x1  }
0x15: {  	v5 =	vadd.s32 v1, v4  }
0x16: {  	v6 =	vadd.s32 v2, v4  }
0x17: {  	v4 =	vadd.s32 v0, v4;
	_ =	sdelay $0x2  }
0x18: {  	v7 =	vld.idx.msk [tilespmem:v5+s2+$0x0], $0xffff  }
0x19: {  	s28 =	sadd.s32 $0x10, s24;
	v9 =	vld.idx.msk [tilespmem:v6+s2+$0x0], $0xffff  }
0x1a: {  	v5 =	vmov s28;
	v4 =	vld.idx.msk [tilespmem:v4+s2+$0x0], $0xffff  }
0x1b: {  	v5 =	vmul.u32 $0x3, v5;
	_ =	sdelay $0x1  }
0x1c: {  	s29 =	simm.s32 $0x0;
	v5 =	vbroadcast v5, $0x0;
	v6 =	vshra.s32 v7, $0x1;
	v7 =	vshll.u32 v7, $0x6  }
0x1d: {  	s26 =	simm.s32 $0x40;
	s30 =	simm.s32 $0x80;
	v8 =	vshra.s32 v9, $0x1;
	[tilespmem:s29+$0x680] =	vst v6;
	v6 =	vand.u32 $0x40, v7;
	v7 =	vshll.u32 v9, $0x6  }
.LBB2_3:
0x1e: {  	p0 =	sne.s32 s30, $0x1C0;
	v9 =	vadd.s32 v0, v5;
	v10 =	vadd.s32 v1, v5;
	[tilespmem:s29+$0x700] =	vst v8;
	v8 =	vshll.u32 v4, $0x6;
	s31 =	smov.u32 s30;
	s30 =	sadd.s32 $0x40, s30  }
0x1f: {  	v5 =	vadd.s32 v2, v5;
	v4 =	vshra.s32 v4, $0x1;
	[tilespmem:s29+$0x800] =	vst v6;
	v6 =	vand.u32 $0x40, v7  }
0x20: {  	v7 =	vand.u32 $0x40, v8;
	[tilespmem:s29+$0x880] =	vst v6  }
0x21: {  	[tilespmem:s29+$0x780] =	vst v7  }
0x22: {  	[tilespmem:s29+$0x600] =	vst v4  }
0x23: {  	v6 =	vld.idx.msk [tilespmem:v10+s2+$0x0], $0xffff  }
0x24: {  	v7 =	vld.idx.msk [tilespmem:v5+s2+$0x0], $0xffff  }
0x25: {  	s28 =	sadd.s32 $0x10, s28;
	v4 =	vld.idx.msk [tilespmem:v9+s2+$0x0], $0xffff  }
.Ltmp0:
0x26: {  	v5 =	vmov s28;
	(pc) =	sbr.rel @p0 .LBB2_3-.Ltmp0, $3  }
0x27: {  	v5 =	vmul.u32 $0x3, v5;
	_ =	sdelay $0x1  }
0x28: {  	s29 =	sshra.s32 s26, $0x2;
	s26 =	smov.u32 s31;
	v5 =	vbroadcast v5, $0x0;
	v8 =	vshra.s32 v6, $0x1;
	v6 =	vshll.u32 v6, $0x6  }
0x29: {  	v6 =	vand.u32 $0x40, v6;
	[tilespmem:s29+$0x680] =	vst v8;
	v8 =	vshra.s32 v7, $0x1;
	v7 =	vshll.u32 v7, $0x6  }
0x2a: {  	v9 =	vadd.s32 v1, v5;
	[tilespmem:s29+$0x700] =	vst v8  }
0x2b: {  	v10 =	vadd.s32 v2, v5;
	[tilespmem:s29+$0x800] =	vst v6;
	v6 =	vand.u32 $0x40, v7  }
0x2c: {  	v8 =	vshll.u32 v4, $0x6;
	v4 =	vshra.s32 v4, $0x1;
	[tilespmem:s29+$0x880] =	vst v6  }
0x2d: {  	v5 =	vadd.s32 v0, v5;
	v7 =	vand.u32 $0x40, v8;
	[tilespmem:s29+$0x600] =	vst v4  }
0x2e: {  	[tilespmem:s29+$0x780] =	vst v7  }
0x2f: {  	v4 =	vld.idx.msk [tilespmem:v9+s2+$0x0], $0xffff  }
0x30: {  	v6 =	vld.idx.msk [tilespmem:v10+s2+$0x0], $0xffff;
	_ =	sdelay $0x1  }
0x31: {  	v5 =	vld.idx.msk [tilespmem:v5+s2+$0x0], $0xffff;
	_ =	sdelay $0x1  }
0x32: {  	s26 =	sshra.s32 s26, $0x2;
	v7 =	vshra.s32 v4, $0x1  }
0x33: {  	v4 =	vshll.u32 v4, $0x6;
	[tilespmem:s26+$0x680] =	vst v7;
	v7 =	vshra.s32 v6, $0x1  }
0x34: {  	v4 =	vand.u32 $0x40, v4;
	v6 =	vshll.u32 v6, $0x6;
	[tilespmem:s26+$0x700] =	vst v7  }
0x35: {  	v7 =	vshll.u32 v5, $0x6;
	[tilespmem:s26+$0x800] =	vst v4;
	v4 =	vand.u32 $0x40, v6  }
0x36: {  	v6 =	vand.u32 $0x40, v7;
	[tilespmem:s26+$0x880] =	vst v4  }
0x37: {  	v4 =	vshra.s32 v5, $0x1;
	[tilespmem:s26+$0x780] =	vst v6  }
0x38: {  	[tilespmem:s26+$0x600] =	vst v4  }
0x39: {  	[tilespmem:s11], [sflag:$0x1] =	stream.indirect.gather [hbm4b:s3+s9], $0x80, s10, s9, $0xb8;
	[tilespmem:$0x10B00] =	vst v63  }
0x3a: {  	_ = 	snop  }
0x3b: {  	[tilespmem:s13], [sflag:$0x1] =	stream.indirect.gather [hbm4b:s4+s9], $0x80, s12, s9, $0xb8;
	[tilespmem:$0x10B00] =	vst v63  }
0x3c: {  	_ = 	snop  }
0x3d: {  	[tilespmem:s15], [sflag:$0x1] =	stream.indirect.gather [hbm4b:s3+s9], $0x80, s14, s9, $0xb8;
	[tilespmem:$0x10B00] =	vst v63  }
0x3e: {  	_ =	swait.ge [sflag:s16], $0x4000  }
0x3f: {  	[sflag:s16] =	ssyncset.done $0x0  }
0x40: {  	[sflag:s16] =	ssyncadd.s32 $0xFFFFC000  }
0x41: {  	_ =	swait.ge [sflag:s16], $0x4000  }
0x42: {  	[sflag:s16] =	ssyncset.done $0x0  }
0x43: {  	[sflag:s16] =	ssyncadd.s32 $0xFFFFC000  }
0x44: {  	_ =	swait.ge [sflag:s16], $0x4000  }
0x45: {  	[sflag:s16] =	ssyncset.done $0x0  }
0x46: {  	s26 =	simm.s32 $0x8940;
	[sflag:s16] =	ssyncadd.s32 $0xFFFFC000  }
0x47: {  	s28 =	simm.s32 $0x940;
	v5 =	vld [tilespmem:s26+$0x20]  }
0x48: {  	v6 =	vld [tilespmem:s28+$0x30]  }
0x49: {  	s29 =	simm.s32 $0x4940;
	v7 =	vld [tilespmem:s28+$0xFFFFFFF0]  }
0x4a: {  	v8 =	vld [tilespmem:s29+$0x30]  }
0x4b: {  	v9 =	vld [tilespmem:s26+$0x0]  }
0x4c: {  	v10 =	vld [tilespmem:s26+$0xFFFFFFC0]  }
0x4d: {  	v11 =	vld [tilespmem:s26+$0x10]  }
0x4e: {  	v12 =	vld [tilespmem:s28+$0x20]  }
0x4f: {  	v13 =	vld [tilespmem:s28+$0xFFFFFFE0]  }
0x50: {  	v14 =	vld [tilespmem:s29+$0x20]  }
0x51: {  	s30 =	simm.s32 $0x0;
	v15 =	vld [tilespmem:s28+$0x0]  }
0x52: {  	v4 =	vmov s30;
	v16 =	vld [tilespmem:s28+$0xFFFFFFC0]  }
0x53: {  	v17 =	vld [tilespmem:s29+$0x0]  }
0x54: {  	v18 =	vld [tilespmem:s29+$0xFFFFFFC0]  }
0x55: {  	v19 =	vld [tilespmem:s28+$0x10]  }
0x56: {  	v20 =	vld [tilespmem:s28+$0xFFFFFFD0]  }
0x57: {  	v21 =	vld.idx.msk [tilespmem:v4+s19+$0x0], $0xffff  }
0x58: {  	v22 =	vld.idx.msk [tilespmem:v4+s17+$0x0], $0xffff  }
0x59: {  	v23 =	vld.idx.msk [tilespmem:v4+s18+$0x0], $0xffff  }
0x5a: {  	v24 =	vld [tilespmem:s29+$0x10]  }
0x5b: {  	v25 =	vld [tilespmem:s29+$0xFFFFFFD0]  }
0x5c: {  	v26 =	vld [tilespmem:s29+$0xFFFFFFE0]  }
0x5d: {  	v63 =	vld [tilespmem:s26+$0xFFFFFFD0];
	vm0 =	veq.s32 v21, $0x0  }
0x5e: {  	vm1 =	veq.s32 v22, $0x0;
	vm2 =	veq.s32 v23, $0x0;
	v9 =	vsel vm0, v10, v9;
	v10 =	vld [tilespmem:s29+$0xFFFFFFF0]  }
0x5f: {  	v15 =	vsel vm1, v16, v15;
	v12 =	vsel vm1, v13, v12;
	v13 =	vld [tilespmem:s26+$0xFFFFFFE0];
	v16 =	vsel vm2, v18, v17  }
0x60: {  	v17 =	vsel vm1, v20, v19;
	v18 =	vsel vm2, v25, v24;
	v19 =	vld [tilespmem:s26+$0x30];
	v15 =	vadd.f32 v16, v15  }
0x61: {  	v14 =	vsel vm2, v26, v14;
	v16 =	vadd.f32 v18, v17;
	v17 =	vld [tilespmem:s26+$0xFFFFFFF0]  }
0x62: {  	v11 =	vsel vm0, v63, v11;
	v6 =	vsel vm1, v7, v6;
	v7 =	vsub.f32 v15, v9  }
0x63: {  	v12 =	vadd.f32 v14, v12;
	v9 =	vsub.f32 v16, v11  }
0x64: {  	v8 =	vsel vm2, v10, v8;
	v5 =	vsel vm0, v13, v5;
	v7 =	vand.u32 $0x7FFFFFFF, v7  }
0x65: {  	v6 =	vadd.f32 v8, v6;
	v8 =	vand.u32 $0x7FFFFFFF, v9;
	v5 =	vsub.f32 v12, v5  }
0x66: {  	v7 =	vadd.f32 v8, v7;
	v8 =	vsel vm0, v17, v19  }
0x67: {  	v5 =	vand.u32 $0x7FFFFFFF, v5;
	v6 =	vsub.f32 v6, v8  }
0x68: {  	v5 =	vadd.f32 v5, v7  }
0x69: {  	v6 =	vand.u32 $0x7FFFFFFF, v6  }
0x6a: {  	v5 =	vadd.f32 v6, v5  }
0x6b: {  	s26 =	simm.s32 $0xC900  }
0x6c: {  	s28 =	simm.s32 $0x89C0;
	[tilespmem:s26+$0x0] =	vst v5  }
0x6d: {  	s30 =	simm.s32 $0x9C0;
	v5 =	vld [tilespmem:s28+$0x20]  }
0x6e: {  	v6 =	vld [tilespmem:s30+$0x30]  }
0x6f: {  	s29 =	simm.s32 $0x49C0;
	v8 =	vld [tilespmem:s30+$0xFFFFFFF0]  }
0x70: {  	v7 =	vld [tilespmem:s29+$0x30]  }
0x71: {  	v11 =	vld [tilespmem:s28+$0x0]  }
0x72: {  	v13 =	vld [tilespmem:s28+$0xFFFFFFC0]  }
0x73: {  	v9 =	vld [tilespmem:s28+$0x10]  }
0x74: {  	v12 =	vld [tilespmem:s30+$0x20]  }
0x75: {  	v14 =	vld [tilespmem:s30+$0xFFFFFFE0]  }
0x76: {  	v10 =	vld [tilespmem:s29+$0x20]  }
0x77: {  	s31 =	simm.s32 $0x1;
	v15 =	vld [tilespmem:s30+$0x0]  }
0x78: {  	v19 =	vmov s31;
	v17 =	vld [tilespmem:s30+$0xFFFFFFC0]  }
0x79: {  	v16 =	vld [tilespmem:s29+$0x0]  }
0x7a: {  	s31 =	simm.s32 $0x2;
	v18 =	vld [tilespmem:s29+$0xFFFFFFC0]  }
.LBB2_5:
0x7b: {  	p0 =	sne.s32 s31, $0x7F;
	v20 =	vld [tilespmem:s30+$0x10]  }
0x7c: {  	v21 =	vld [tilespmem:s30+$0xFFFFFFD0]  }
0x7d: {  	v22 =	vld.idx.msk [tilespmem:v19+s19+$0x0], $0xffff  }
0x7e: {  	v23 =	vld.idx.msk [tilespmem:v19+s17+$0x0], $0xffff  }
0x7f: {  	v19 =	vld.idx.msk [tilespmem:v19+s18+$0x0], $0xffff  }
0x80: {  	v24 =	vld [tilespmem:s29+$0x10]  }
0x81: {  	v25 =	vld [tilespmem:s29+$0xFFFFFFD0]  }
0x82: {  	v26 =	vld [tilespmem:s29+$0xFFFFFFE0]  }
0x83: {  	vm0 =	veq.s32 v22, $0x0;
	v22 =	vld [tilespmem:s28+$0xFFFFFFD0]  }
0x84: {  	vm1 =	veq.s32 v23, $0x0;
	v11 =	vsel vm0, v13, v11;
	v13 =	vld [tilespmem:s29+$0xFFFFFFF0]  }
0x85: {  	vm2 =	veq.s32 v19, $0x0;
	v15 =	vsel vm1, v17, v15;
	v12 =	vsel vm1, v14, v12;
	v14 =	vld [tilespmem:s28+$0xFFFFFFE0]  }
0x86: {  	v17 =	vsel vm1, v21, v20;
	v16 =	vsel vm2, v18, v16;
	v18 =	vsel vm2, v25, v24;
	v19 =	vld [tilespmem:s28+$0x30]  }
0x87: {  	v15 =	vadd.f32 v16, v15;
	v16 =	vadd.f32 v18, v17;
	v10 =	vsel vm2, v26, v10;
	v17 =	vld [tilespmem:s28+$0xFFFFFFF0]  }
0x88: {  	v6 =	vsel vm1, v8, v6;
	v9 =	vsel vm0, v22, v9;
	v10 =	vadd.f32 v10, v12  }
0x89: {  	v8 =	vsub.f32 v15, v11;
	v9 =	vsub.f32 v16, v9;
	v7 =	vsel vm2, v13, v7  }
0x8a: {  	v5 =	vsel vm0, v14, v5;
	v6 =	vadd.f32 v7, v6  }
0x8b: {  	v7 =	vand.u32 $0x7FFFFFFF, v8;
	v8 =	vand.u32 $0x7FFFFFFF, v9;
	v5 =	vsub.f32 v10, v5  }
0x8c: {  	v7 =	vadd.f32 v8, v7;
	v8 =	vsel vm0, v17, v19  }
0x8d: {  	v5 =	vand.u32 $0x7FFFFFFF, v5;
	v6 =	vsub.f32 v6, v8  }
0x8e: {  	v5 =	vadd.f32 v5, v7  }
0x8f: {  	v6 =	vand.u32 $0x7FFFFFFF, v6  }
0x90: {  	v5 =	vadd.f32 v6, v5  }
0x91: {  	s26 =	sadd.s32 $0x80, s26  }
0x92: {  	s28 =	sadd.s32 $0x80, s28;
	[tilespmem:s26+$0x0] =	vst v5  }
0x93: {  	s30 =	sadd.s32 $0x80, s30;
	v5 =	vld [tilespmem:s28+$0x20]  }
0x94: {  	v6 =	vld [tilespmem:s30+$0x30]  }
0x95: {  	s29 =	sadd.s32 $0x80, s29;
	v8 =	vld [tilespmem:s30+$0xFFFFFFF0]  }
0x96: {  	v7 =	vld [tilespmem:s29+$0x30]  }
0x97: {  	v11 =	vld [tilespmem:s28+$0x0]  }
0x98: {  	v13 =	vld [tilespmem:s28+$0xFFFFFFC0]  }
0x99: {  	v9 =	vld [tilespmem:s28+$0x10]  }
0x9a: {  	v12 =	vld [tilespmem:s30+$0x20]  }
0x9b: {  	v14 =	vld [tilespmem:s30+$0xFFFFFFE0]  }
.Ltmp1:
0x9c: {  	v10 =	vld [tilespmem:s29+$0x20];
	(pc) =	sbr.rel @p0 .LBB2_5-.Ltmp1, $4  }
0x9d: {  	v15 =	vld [tilespmem:s30+$0x0]  }
0x9e: {  	v19 =	vmov s31;
	v17 =	vld [tilespmem:s30+$0xFFFFFFC0]  }
0x9f: {  	v16 =	vld [tilespmem:s29+$0x0]  }
0xa0: {  	s31 =	sadd.s32 $0x1, s31;
	v18 =	vld [tilespmem:s29+$0xFFFFFFC0]  }
0xa1: {  	_ =	sdelay $0x1  }
0xa2: {  	v20 =	vld [tilespmem:s30+$0x10]  }
0xa3: {  	v21 =	vld [tilespmem:s30+$0xFFFFFFD0]  }
0xa4: {  	v22 =	vld.idx.msk [tilespmem:v19+s19+$0x0], $0xffff  }
0xa5: {  	v23 =	vld.idx.msk [tilespmem:v19+s17+$0x0], $0xffff  }
0xa6: {  	v33 =	vld.idx.msk [tilespmem:v19+s18+$0x0], $0xffff  }
0xa7: {  	v24 =	vld [tilespmem:s29+$0x10]  }
0xa8: {  	v25 =	vld [tilespmem:s29+$0xFFFFFFD0]  }
0xa9: {  	v26 =	vld [tilespmem:s29+$0xFFFFFFE0]  }
0xaa: {  	v34 =	vld [tilespmem:s28+$0xFFFFFFD0]  }
0xab: {  	v35 =	vld [tilespmem:s29+$0xFFFFFFF0];
	vm0 =	veq.s32 v22, $0x0;
	vm1 =	veq.s32 v23, $0x0;
	vm2 =	veq.s32 v33, $0x0  }
0xac: {  	v36 =	vld [tilespmem:s28+$0xFFFFFFE0];
	v11 =	vsel vm0, v13, v11;
	v15 =	vsel vm1, v17, v15;
	v12 =	vsel vm1, v14, v12  }
0xad: {  	v39 =	vld [tilespmem:s28+$0x30];
	v16 =	vsel vm2, v18, v16;
	v37 =	vsel vm1, v21, v20;
	v38 =	vsel vm2, v25, v24  }
0xae: {  	v41 =	vld [tilespmem:s28+$0xFFFFFFF0];
	v10 =	vsel vm2, v26, v10;
	v15 =	vadd.f32 v16, v15;
	v40 =	vadd.f32 v38, v37  }
0xaf: {  	v9 =	vsel vm0, v34, v9;
	v6 =	vsel vm1, v8, v6;
	v10 =	vadd.f32 v10, v12  }
0xb0: {  	v7 =	vsel vm2, v35, v7;
	v8 =	vsub.f32 v15, v11;
	v9 =	vsub.f32 v40, v9  }
0xb1: {  	v5 =	vsel vm0, v36, v5;
	v6 =	vadd.f32 v7, v6  }
0xb2: {  	v5 =	vsub.f32 v10, v5;
	v7 =	vand.u32 $0x7FFFFFFF, v8;
	v8 =	vand.u32 $0x7FFFFFFF, v9  }
0xb3: {  	v7 =	vadd.f32 v8, v7;
	v8 =	vsel vm0, v41, v39  }
0xb4: {  	v4 =	vshll.u32 v4, $0x7;
	v5 =	vand.u32 $0x7FFFFFFF, v5;
	v6 =	vsub.f32 v6, v8  }
0xb5: {  	v4 =	vor.u32 v3, v4;
	v5 =	vadd.f32 v5, v7  }
0xb6: {  	v6 =	vand.u32 $0x7FFFFFFF, v6  }
0xb7: {  	v5 =	vadd.f32 v6, v5;
	v6 =	vor.u32 $0x1, v4  }
0xb8: {  	s26 =	sadd.s32 $0x80, s26  }
0xb9: {  	[tilespmem:s26+$0x0] =	vst v5;
	v5 =	vor.u32 $0x2, v4  }
0xba: {  	v7 =	vld.idx.msk [tilespmem:v4+s20+$0x0], $0xffff  }
0xbb: {  	v8 =	vor.u32 $0x3, v4  }
0xbc: {  	v6 =	vld.idx.msk [tilespmem:v6+s20+$0x0], $0xffff  }
0xbd: {  	v42 =	vor.u32 $0x4, v4  }
0xbe: {  	v5 =	vld.idx.msk [tilespmem:v5+s20+$0x0], $0xffff  }
0xbf: {  	v43 =	vor.u32 $0x5, v4;
	v7 =	vadd.f32 $0.0e+00, v7  }
0xc0: {  	v8 =	vld.idx.msk [tilespmem:v8+s20+$0x0], $0xffff  }
0xc1: {  	v44 =	vor.u32 $0x6, v4;
	v6 =	vadd.f32 v6, v7  }
0xc2: {  	v7 =	vld.idx.msk [tilespmem:v42+s20+$0x0], $0xffff  }
0xc3: {  	v45 =	vor.u32 $0x7, v4;
	v5 =	vadd.f32 v5, v6  }
0xc4: {  	v6 =	vld.idx.msk [tilespmem:v43+s20+$0x0], $0xffff  }
0xc5: {  	v46 =	vor.u32 $0x8, v4;
	v5 =	vadd.f32 v8, v5  }
0xc6: {  	v8 =	vld.idx.msk [tilespmem:v44+s20+$0x0], $0xffff  }
0xc7: {  	v47 =	vor.u32 $0x9, v4;
	v5 =	vadd.f32 v7, v5  }
0xc8: {  	v7 =	vld.idx.msk [tilespmem:v45+s20+$0x0], $0xffff  }
0xc9: {  	v48 =	vor.u32 $0xA, v4;
	v5 =	vadd.f32 v6, v5  }
0xca: {  	v6 =	vld.idx.msk [tilespmem:v46+s20+$0x0], $0xffff  }
0xcb: {  	v49 =	vor.u32 $0xB, v4;
	v5 =	vadd.f32 v8, v5  }
0xcc: {  	v8 =	vld.idx.msk [tilespmem:v47+s20+$0x0], $0xffff  }
0xcd: {  	v50 =	vor.u32 $0xC, v4;
	v5 =	vadd.f32 v7, v5  }
0xce: {  	v7 =	vld.idx.msk [tilespmem:v48+s20+$0x0], $0xffff  }
0xcf: {  	v51 =	vor.u32 $0xD, v4;
	v5 =	vadd.f32 v6, v5  }
0xd0: {  	v6 =	vld.idx.msk [tilespmem:v49+s20+$0x0], $0xffff  }
0xd1: {  	v52 =	vor.u32 $0xE, v4;
	v5 =	vadd.f32 v8, v5  }
0xd2: {  	v8 =	vld.idx.msk [tilespmem:v50+s20+$0x0], $0xffff  }
0xd3: {  	v4 =	vor.u32 $0xF, v4;
	v5 =	vadd.f32 v7, v5  }
0xd4: {  	v7 =	vld.idx.msk [tilespmem:v51+s20+$0x0], $0xffff  }
0xd5: {  	v5 =	vadd.f32 v6, v5  }
0xd6: {  	v6 =	vld.idx.msk [tilespmem:v52+s20+$0x0], $0xffff  }
0xd7: {  	v5 =	vadd.f32 v8, v5  }
0xd8: {  	v4 =	vld.idx.msk [tilespmem:v4+s20+$0x0], $0xffff  }
0xd9: {  	v5 =	vadd.f32 v7, v5  }
0xda: {  	s30 =	simm.s32 $0x10  }
0xdb: {  	v7 =	vmov s30;
	v5 =	vadd.f32 v6, v5  }
0xdc: {  	v6 =	vshll.u32 v7, $0x7  }
0xdd: {  	v6 =	vor.u32 v3, v6;
	v4 =	vadd.f32 v4, v5;
	_ =	sdelay $0x1  }
0xde: {  	v5 =	vor.u32 $0x1, v6;
	v4 =	vsub.f32 $1.200000000e+01, v4;
	_ =	sdelay $0x1  }
0xdf: {  	v7 =	vor.u32 $0x2, v6;
	[tilespmem:s23+$0x0] =	vst v4  }
0xe0: {  	v4 =	vld.idx.msk [tilespmem:v6+s20+$0x0], $0xffff  }
0xe1: {  	v8 =	vor.u32 $0x3, v6  }
0xe2: {  	v5 =	vld.idx.msk [tilespmem:v5+s20+$0x0], $0xffff  }
0xe3: {  	v53 =	vor.u32 $0x4, v6  }
0xe4: {  	v7 =	vld.idx.msk [tilespmem:v7+s20+$0x0], $0xffff  }
0xe5: {  	v54 =	vor.u32 $0x5, v6;
	v4 =	vadd.f32 $0.0e+00, v4  }
0xe6: {  	v8 =	vld.idx.msk [tilespmem:v8+s20+$0x0], $0xffff  }
0xe7: {  	v55 =	vor.u32 $0x6, v6;
	v4 =	vadd.f32 v5, v4  }
0xe8: {  	v5 =	vld.idx.msk [tilespmem:v53+s20+$0x0], $0xffff  }
0xe9: {  	v56 =	vor.u32 $0x7, v6;
	v4 =	vadd.f32 v7, v4  }
0xea: {  	v7 =	vld.idx.msk [tilespmem:v54+s20+$0x0], $0xffff  }
0xeb: {  	v57 =	vor.u32 $0x8, v6;
	v4 =	vadd.f32 v8, v4  }
0xec: {  	v8 =	vld.idx.msk [tilespmem:v55+s20+$0x0], $0xffff  }
0xed: {  	v58 =	vor.u32 $0x9, v6;
	v4 =	vadd.f32 v5, v4  }
0xee: {  	v5 =	vld.idx.msk [tilespmem:v56+s20+$0x0], $0xffff  }
0xef: {  	v59 =	vor.u32 $0xA, v6;
	v4 =	vadd.f32 v7, v4  }
0xf0: {  	v7 =	vld.idx.msk [tilespmem:v57+s20+$0x0], $0xffff  }
0xf1: {  	v60 =	vor.u32 $0xB, v6;
	v4 =	vadd.f32 v8, v4  }
0xf2: {  	v8 =	vld.idx.msk [tilespmem:v58+s20+$0x0], $0xffff  }
0xf3: {  	v61 =	vor.u32 $0xC, v6;
	v4 =	vadd.f32 v5, v4  }
0xf4: {  	v5 =	vld.idx.msk [tilespmem:v59+s20+$0x0], $0xffff  }
0xf5: {  	v62 =	vor.u32 $0xD, v6;
	v4 =	vadd.f32 v7, v4  }
0xf6: {  	v7 =	vld.idx.msk [tilespmem:v60+s20+$0x0], $0xffff  }
0xf7: {  	v4 =	vadd.f32 v8, v4  }
0xf8: {  	v63 =	vor.u32 $0xE, v6;
	v8 =	vld.idx.msk [tilespmem:v61+s20+$0x0], $0xffff  }
0xf9: {  	v4 =	vadd.f32 v5, v4  }
0xfa: {  	v6 =	vor.u32 $0xF, v6;
	v5 =	vld.idx.msk [tilespmem:v62+s20+$0x0], $0xffff  }
0xfb: {  	v4 =	vadd.f32 v7, v4;
	_ =	sdelay $0x1  }
0xfc: {  	v7 =	vld.idx.msk [tilespmem:v63+s20+$0x0], $0xffff;
	v4 =	vadd.f32 v8, v4;
	_ =	sdelay $0x1  }
0xfd: {  	v5 =	vadd.f32 v5, v4;
	v4 =	vld.idx.msk [tilespmem:v6+s20+$0x0], $0xffff;
	_ =	sdelay $0x1  }
0xfe: {  	s31 =	simm.s32 $0x20  }
0xff: {  	s28 =	simm.s32 $0x30;
	s26 =	smov.u32 s23;
	v6 =	vmov s31;
	v5 =	vadd.f32 v7, v5  }
.LBB2_7:
0x100: {  	p0 =	sne.s32 s28, $0x70;
	v6 =	vshll.u32 v6, $0x7  }
0x101: {  	v6 =	vor.u32 v3, v6;
	v4 =	vadd.f32 v4, v5;
	_ =	sdelay $0x1  }
0x102: {  	v5 =	vor.u32 $0x1, v6;
	v4 =	vsub.f32 $1.200000000e+01, v4  }
0x103: {  	s26 =	sadd.s32 $0x10, s26  }
0x104: {  	v7 =	vor.u32 $0x2, v6;
	[tilespmem:s26+$0x0] =	vst v4  }
0x105: {  	v4 =	vld.idx.msk [tilespmem:v6+s20+$0x0], $0xffff  }
0x106: {  	v8 =	vor.u32 $0x3, v6  }
0x107: {  	v5 =	vld.idx.msk [tilespmem:v5+s20+$0x0], $0xffff  }
0x108: {  	v9 =	vor.u32 $0x4, v6  }
0x109: {  	v7 =	vld.idx.msk [tilespmem:v7+s20+$0x0], $0xffff  }
0x10a: {  	v10 =	vor.u32 $0x5, v6  }
0x10b: {  	v4 =	vadd.f32 $0.0e+00, v4;
	v8 =	vld.idx.msk [tilespmem:v8+s20+$0x0], $0xffff  }
0x10c: {  	v11 =	vor.u32 $0x6, v6  }
0x10d: {  	v4 =	vadd.f32 v5, v4;
	v5 =	vld.idx.msk [tilespmem:v9+s20+$0x0], $0xffff  }
0x10e: {  	v9 =	vor.u32 $0x7, v6  }
0x10f: {  	v4 =	vadd.f32 v7, v4;
	v7 =	vld.idx.msk [tilespmem:v10+s20+$0x0], $0xffff  }
0x110: {  	v10 =	vor.u32 $0x8, v6  }
0x111: {  	v4 =	vadd.f32 v8, v4;
	v8 =	vld.idx.msk [tilespmem:v11+s20+$0x0], $0xffff  }
0x112: {  	v11 =	vor.u32 $0x9, v6  }
0x113: {  	v4 =	vadd.f32 v5, v4;
	v5 =	vld.idx.msk [tilespmem:v9+s20+$0x0], $0xffff  }
0x114: {  	v9 =	vor.u32 $0xA, v6  }
0x115: {  	v4 =	vadd.f32 v7, v4;
	v7 =	vld.idx.msk [tilespmem:v10+s20+$0x0], $0xffff  }
0x116: {  	v10 =	vor.u32 $0xB, v6  }
0x117: {  	v4 =	vadd.f32 v8, v4;
	v8 =	vld.idx.msk [tilespmem:v11+s20+$0x0], $0xffff  }
0x118: {  	v11 =	vor.u32 $0xC, v6  }
0x119: {  	v4 =	vadd.f32 v5, v4;
	v5 =	vld.idx.msk [tilespmem:v9+s20+$0x0], $0xffff  }
0x11a: {  	v9 =	vor.u32 $0xD, v6  }
0x11b: {  	v4 =	vadd.f32 v7, v4;
	v7 =	vld.idx.msk [tilespmem:v10+s20+$0x0], $0xffff  }
0x11c: {  	v10 =	vor.u32 $0xE, v6  }
0x11d: {  	v4 =	vadd.f32 v8, v4;
	v8 =	vld.idx.msk [tilespmem:v11+s20+$0x0], $0xffff  }
0x11e: {  	v6 =	vor.u32 $0xF, v6  }
0x11f: {  	v4 =	vadd.f32 v5, v4;
	v5 =	vld.idx.msk [tilespmem:v9+s20+$0x0], $0xffff;
	_ =	sdelay $0x1  }
0x120: {  	v4 =	vadd.f32 v7, v4;
	v7 =	vld.idx.msk [tilespmem:v10+s20+$0x0], $0xffff;
	_ =	sdelay $0x1  }
.Ltmp2:
0x121: {  	v8 =	vadd.f32 v8, v4;
	v4 =	vld.idx.msk [tilespmem:v6+s20+$0x0], $0xffff;
	(pc) =	sbr.rel @p0 .LBB2_7-.Ltmp2, $3  }
0x122: {  	_ = 	snop  }
0x123: {  	v5 =	vadd.f32 v5, v8;
	_ =	sdelay $0x1  }
0x124: {  	v6 =	vmov s28;
	s28 =	sadd.s32 $0x10, s28;
	v5 =	vadd.f32 v7, v5  }
0x125: {  	v6 =	vshll.u32 v6, $0x7  }
0x126: {  	v6 =	vor.u32 v3, v6;
	v4 =	vadd.f32 v4, v5;
	_ =	sdelay $0x1  }
0x127: {  	v5 =	vor.u32 $0x1, v6;
	v4 =	vsub.f32 $1.200000000e+01, v4  }
0x128: {  	s26 =	sadd.s32 $0x10, s26  }
0x129: {  	v7 =	vor.u32 $0x2, v6;
	[tilespmem:s26+$0x0] =	vst v4  }
0x12a: {  	v4 =	vld.idx.msk [tilespmem:v6+s20+$0x0], $0xffff  }
0x12b: {  	v8 =	vor.u32 $0x3, v6  }
0x12c: {  	v5 =	vld.idx.msk [tilespmem:v5+s20+$0x0], $0xffff  }
0x12d: {  	v9 =	vor.u32 $0x4, v6  }
0x12e: {  	v7 =	vld.idx.msk [tilespmem:v7+s20+$0x0], $0xffff  }
0x12f: {  	v10 =	vor.u32 $0x5, v6;
	v4 =	vadd.f32 $0.0e+00, v4  }
0x130: {  	v8 =	vld.idx.msk [tilespmem:v8+s20+$0x0], $0xffff  }
0x131: {  	v11 =	vor.u32 $0x6, v6;
	v4 =	vadd.f32 v5, v4  }
0x132: {  	v5 =	vld.idx.msk [tilespmem:v9+s20+$0x0], $0xffff  }
0x133: {  	v49 =	vor.u32 $0x7, v6;
	v4 =	vadd.f32 v7, v4  }
0x134: {  	v50 =	vld.idx.msk [tilespmem:v10+s20+$0x0], $0xffff  }
0x135: {  	v51 =	vor.u32 $0x8, v6;
	v4 =	vadd.f32 v8, v4  }
0x136: {  	v52 =	vld.idx.msk [tilespmem:v11+s20+$0x0], $0xffff  }
0x137: {  	v53 =	vor.u32 $0x9, v6;
	v4 =	vadd.f32 v5, v4  }
0x138: {  	v5 =	vld.idx.msk [tilespmem:v49+s20+$0x0], $0xffff  }
0x139: {  	v54 =	vor.u32 $0xA, v6;
	v4 =	vadd.f32 v50, v4  }
0x13a: {  	v55 =	vld.idx.msk [tilespmem:v51+s20+$0x0], $0xffff  }
0x13b: {  	v56 =	vor.u32 $0xB, v6;
	v4 =	vadd.f32 v52, v4  }
0x13c: {  	v57 =	vld.idx.msk [tilespmem:v53+s20+$0x0], $0xffff  }
0x13d: {  	v58 =	vor.u32 $0xC, v6;
	v4 =	vadd.f32 v5, v4  }
0x13e: {  	v5 =	vld.idx.msk [tilespmem:v54+s20+$0x0], $0xffff  }
0x13f: {  	v59 =	vor.u32 $0xD, v6;
	v4 =	vadd.f32 v55, v4  }
0x140: {  	v60 =	vld.idx.msk [tilespmem:v56+s20+$0x0], $0xffff  }
0x141: {  	v61 =	vor.u32 $0xE, v6;
	v4 =	vadd.f32 v57, v4  }
0x142: {  	v62 =	vld.idx.msk [tilespmem:v58+s20+$0x0], $0xffff  }
0x143: {  	v6 =	vor.u32 $0xF, v6;
	v4 =	vadd.f32 v5, v4  }
0x144: {  	v5 =	vld.idx.msk [tilespmem:v59+s20+$0x0], $0xffff  }
0x145: {  	v4 =	vadd.f32 v60, v4  }
0x146: {  	v63 =	vld.idx.msk [tilespmem:v61+s20+$0x0], $0xffff  }
0x147: {  	v4 =	vadd.f32 v62, v4  }
0x148: {  	v6 =	vld.idx.msk [tilespmem:v6+s20+$0x0], $0xffff  }
0x149: {  	v4 =	vadd.f32 v5, v4;
	_ =	sdelay $0x1  }
0x14a: {  	s25 =	sadd.s32 $0x1, s25;
	v4 =	vadd.f32 v63, v4  }
0x14b: {  	p0 =	sne.s32 s25, $0x4  }
.Ltmp3:
0x14c: {  	v4 =	vadd.f32 v6, v4;
	(pc) =	sbr.rel @p0 .LBB2_2-.Ltmp3, $4  }
0x14d: {  	_ = 	snop  }
0x14e: {  	v4 =	vsub.f32 $1.200000000e+01, v4  }
0x14f: {  	s26 =	sadd.s32 $0x10, s26  }
0x150: {  	s24 =	sadd.s32 $0x80, s24;
	s23 =	sadd.s32 $0x80, s23;
	[tilespmem:s26+$0x0] =	vst v4  }
0x151: {  	s22 =	sadd.s32 $0x1, s22  }
0x152: {  	p0 =	sne.s32 s22, s7  }
.Ltmp4:
0x153: {  	_ = 	snop;
	(pc) =	sbr.rel @p0 .LBB2_1-.Ltmp4, $4  }
0x154: {  	[hbm4b:s6+s2] =	stream.linear.scatter [tilespmem:s21], [sflag:$0x2], $0x200, $0x38;
	[tilespmem:$0x10B00] =	vst v63  }
0x155: {  	_ =	swait.ge [sflag:s8], $0x200  }
0x156: {  	[sflag:s8] =	ssyncset.done $0x0  }
0x157: {  	[sflag:s8] =	ssyncadd.s32 $0xFFFFFE00  }
0x158: {  	_ =	sfence.sel $0x180000  }
0x159: {  	[bflag:$0x0] =	sbarrier.arrive $0xFFFF  }
0x15a: {  	p0 =	sne.s32 s0, $0x0;
	_ =	strace $0x90000047  }
0x15b: {  	s0 =	sadd.s32 @!p0 $0x100000, s1;
	[bflag:$0x2] =	sbarrier.arrive $0xFFFF  }
0x15c: {  	[sflag:s0] =	ssyncadd.tile.s32 @!p0 $0x1;
	_ =	shalt  }
.Lfunc_end2:
_tile_overlayer_lowered:
.L_overlay_start_2:
0x15d: {  	(tag) =	ssettag $0x2  }
0x15e: {  	s0 =	rddreg [dreg:$0x0];
	s2 =	stileid.u32  }
0x15f: {  	s1 =	rddreg [dreg:$0x1];
	p0 =	sne.s32 s2, $0x0  }
0x160: {  	s3 =	rddreg [dreg:$0x2];
	[bflag:$0x3] =	sbarrier.arrive $0xFFFF;
	s2 =	simm.s32 @!p0 $0x1C02  }
0x161: {  	[timem:s3], [sflag:s2] =	dma.local @!p0 [hbm:s0], s1  }
0x162: {  	s0 =	simm.s32 @!p0 $0x2  }
0x163: {  	_ =	swait.ge @!p0 [sflag:s0], s1  }
0x164: {  	s1 =	ssub.s32 @!p0 $0x0, s1;
	[sflag:s0] =	ssyncset.done @!p0 $0x0  }
0x165: {  	[sflag:s0] =	ssyncadd.s32 @!p0 s1  }
0x166: {  	[bflag:$0x3] =	sbarrier.arrive $0xFFFF  }
0x167: {  	_ =	shalt  }

</sc_bundles>
